<compile_context>
chip_gen: v7x
topology: tpu7x:2x2x1
jax: 0.10.2.dev20260603
libtpu: 0.0.44.dev20260713+nightly
codegen_flags: <defaults>
</compile_context>

<pallas_src>
import functools

import jax
import jax.numpy as jnp
from jax import lax
from jax.experimental import pallas as pl
from jax.experimental.pallas import tpu as pltpu
from jax.experimental.pallas import tpu_sc as plsc

F = 4
V = 100002
D = 64
DP = 128
NC = 2
NS = 16
NW = NC * NS
CH = 128


def _make_map_kernel(n_pad):
    wpf = NW // F
    per_w = F * n_pad // NW
    nch = per_w // CH
    mesh = plsc.VectorSubcoreMesh(core_axis_name="c", subcore_axis_name="s")

    @functools.partial(
        pl.kernel,
        out_type=jax.ShapeDtypeStruct((F * n_pad,), jnp.int32),
        mesh=mesh,
        scratch_types=[
            pltpu.VMEM((per_w,), jnp.int32),
            pltpu.VMEM((2, CH), jnp.int32),
            pltpu.VMEM((2, CH), jnp.int32),
            pltpu.SemaphoreType.DMA,
            pltpu.SemaphoreType.DMA,
        ],
    )
    def map_kernel(tok_hbm, map_hbm, fidx_hbm, tok_v, midx_v, val_v, sem0, sem1):
        c = lax.axis_index("c")
        s = lax.axis_index("s")
        wid = s * NC + c
        f = wid // wpf
        foff = f * V
        tbase = (wid - f * wpf) * per_w
        obase = f * n_pad + tbase
        sems = (sem0, sem1)
        pltpu.sync_copy(tok_hbm.at[pl.ds(tbase, per_w)], tok_v)

        def fill(j, buf):
            for i in range(CH // 16):
                midx_v[buf, pl.ds(i * 16, 16)] = (
                    tok_v[pl.ds(j * CH + i * 16, 16)] + foff)

        fill(0, 0)
        pltpu.async_copy(map_hbm.at[midx_v.at[0]], val_v.at[0], sems[0])

        def pair(i, carry):
            for p in range(2):
                j = 2 * i + p
                nxt = (p + 1) % 2

                @pl.when(j + 1 < nch)
                def _():
                    fill(j + 1, nxt)
                    pltpu.async_copy(
                        map_hbm.at[midx_v.at[nxt]], val_v.at[nxt], sems[nxt])

                pltpu.make_async_copy(
                    map_hbm.at[pl.ds(0, CH)], val_v.at[p], sems[p]).wait()
                pltpu.sync_copy(val_v.at[p], fidx_hbm.at[pl.ds(obase + j * CH, CH)])
            return carry

        lax.fori_loop(0, nch // 2, pair, 0)

    return map_kernel


def _make_tab_kernel(n_pad):
    wpf = NW // F
    per_w = F * n_pad // NW
    nch = per_w // CH
    mesh = plsc.VectorSubcoreMesh(core_axis_name="c", subcore_axis_name="s")

    @functools.partial(
        pl.kernel,
        out_type=jax.ShapeDtypeStruct((F * n_pad, DP), jnp.float32),
        mesh=mesh,
        scratch_types=[
            pltpu.VMEM((per_w,), jnp.int32),
            pltpu.VMEM((2, CH, DP), jnp.float32),
            pltpu.SemaphoreType.DMA,
            pltpu.SemaphoreType.DMA,
        ],
    )
    def tab_kernel(fidx_hbm, tab_hbm, out_hbm, fidx_v, rows_v, sem0, sem1):
        c = lax.axis_index("c")
        si = lax.axis_index("s")
        wid = si * NC + c
        f = wid // wpf
        base = wid * per_w
        tab_f = tab_hbm.at[f]
        sems = (sem0, sem1)
        pltpu.sync_copy(fidx_hbm.at[pl.ds(base, per_w)], fidx_v)
        pltpu.async_copy(
            tab_f.at[fidx_v.at[pl.ds(0, CH)]], rows_v.at[0], sems[0])

        def pair(i, carry):
            for p in range(2):
                k = 2 * i + p
                nxt = (p + 1) % 2

                @pl.when(k + 1 < nch)
                def _():
                    pltpu.async_copy(
                        tab_f.at[fidx_v.at[pl.ds((k + 1) * CH, CH)]],
                        rows_v.at[nxt], sems[nxt])

                pltpu.make_async_copy(
                    tab_f.at[pl.ds(0, CH)], rows_v.at[p], sems[p]).wait()
                pltpu.sync_copy(rows_v.at[p], out_hbm.at[pl.ds(base + k * CH, CH)])
            return carry

        lax.fori_loop(0, nch // 2, pair, 0)

    return tab_kernel


@jax.jit
def kernel(token_seqs, tables, mappings):
    b, s = token_seqs.shape
    sp = (s + 7) // 8 * 8
    n_pad = b * sp
    spread = (lax.broadcasted_iota(jnp.int32, (b, sp - s), 0) * (sp - s)
              + lax.broadcasted_iota(jnp.int32, (b, sp - s), 1)) % V
    tok_flat = jnp.concatenate([token_seqs, spread], axis=1).reshape(n_pad)
    map_flat = mappings.reshape(F * V)
    fidx = _make_map_kernel(n_pad)(tok_flat, map_flat)
    tab128 = jnp.pad(tables, ((0, 0), (0, 0), (0, DP - D)))
    out_k = _make_tab_kernel(n_pad)(fidx, tab128)
    out_tensor = out_k.reshape(F, b, sp, DP)[:, :, :s, :D]
    out_indices = fidx.reshape(F, b, sp)[:, :, :s]
    return (out_tensor, out_indices)

# --- scband reference (transcript-rebuilt; emitter-appended) ---
"""Pipeline reference for scband-embedding-model-14293651161258 (READ-ONLY COPY).

The authoritative reference and input builder live on the scoring server;
editing this copy changes nothing except your own understanding.
"""

import jax, jax.numpy as jnp
import numpy as np

NUM_FACETS = 4
DIM = 64
VOCAB = 100000
N_EMB = VOCAB + 2  # +unk +padding, as in EmbeddingModel.__init__
BATCH = 1024
SEQ = 50


def setup_inputs(seed: int = 0) -> dict:
    key = jax.random.key(seed)
    k1, k2, k3 = jax.random.split(key, 3)
    # forward arg (int indices into the word-prism dictionary; < VOCAB so unk/pad ids unused)
    token_seqs = jax.random.randint(k1, (BATCH, SEQ), 0, VOCAB, dtype=jnp.int32)
    # learned / fixed parameters of the word prism:
    # per-facet embedding tables V (embwrap.embeddings.V)
    tables = jax.random.normal(k2, (NUM_FACETS, N_EMB, DIM), dtype=jnp.float32) * 0.02
    # per-facet index remapping (embwrap.get_indices): prism id -> facet-local id
    mappings = jax.random.randint(k3, (NUM_FACETS, N_EMB), 0, N_EMB, dtype=jnp.int32)
    return {"token_seqs": token_seqs, "tables": tables, "mappings": mappings}


def reference(token_seqs, tables, mappings):
    # mapping_index with projection=False, normalize unused in forward path:
    # for each facet i: facet_idx = get_indices(token_seqs); out[i] = V_i[facet_idx]
    facet_idx = mappings[:, token_seqs]  # [F, B, S] gather of remapped ids
    out_tensor = jax.vmap(lambda t, fi: jnp.take(t, fi, axis=0))(tables, facet_idx)  # [F, B, S, D]
    out_indices = facet_idx
    return (out_tensor, out_indices)

if __name__ == "__main__":
    import jax
    _d = setup_inputs()
    print(jax.jit(kernel)(*tuple(_d.values())))

</pallas_src>

<mosaic_0001>
#map = affine_map<(d0, d1) -> (0)>
#map1 = affine_map<(d0, d1) -> (0, 0, 0)>
#map2 = affine_map<(d0, d1) -> (0, 0)>
module attributes {stable_mosaic.version = 14 : i64} {
  func.func @tab_kernel(%arg0: i32, %arg1: i32, %arg2: memref<229376xi32, #tpu.memory_space<hbm>>, %arg3: memref<4x100002x128xf32, #tpu.memory_space<hbm>>, %arg4: memref<229376x128xf32, #tpu.memory_space<hbm>>, %arg5: memref<7168xi32, #tpu.memory_space<vmem>>, %arg6: memref<2x128x128xf32, #tpu.memory_space<vmem>>, %arg7: memref<!tpu.dma_semaphore, #tpu.memory_space<semaphore_mem>>, %arg8: memref<!tpu.dma_semaphore, #tpu.memory_space<semaphore_mem>>) attributes {dimension_semantics = [#tpu.dimension_semantics<core_parallel>, #tpu.dimension_semantics<subcore_parallel>], iteration_bounds = array<i64: 2, 16>, scalar_prefetch = 0 : i64, scratch_operands = 4 : i64, tpu.core_type = #tpu.core_type<sc_vector_subcore>, window_params = [{transform_indices = #map}, {transform_indices = #map1}, {transform_indices = #map2}]} {
    %mul3A = arith.constant 2 : i32
    %mul3A_0 = arith.muli %arg1, %mul3A : i32
    %add3A = arith.addi %mul3A_0, %arg0 : i32
    %jit3A = arith.constant 8 : i32
    %div3A = arith.divsi %add3A, %jit3A : i32
    %sign3A = arith.constant 0 : i32
    %sign3A_1 = arith.cmpi sgt, %add3A, %sign3A : i32
    %sign3A_2 = arith.extui %sign3A_1 : i1 to i32
    %sign3A_3 = arith.constant 0 : i32
    %sign3A_4 = arith.cmpi slt, %add3A, %sign3A_3 : i32
    %sign3A_5 = arith.extui %sign3A_4 : i1 to i32
    %sign3A_6 = arith.subi %sign3A_2, %sign3A_5 : i32
    %sign3A_7 = arith.constant 0 : i32
    %sign3A_8 = arith.cmpi sgt, %jit3A, %sign3A_7 : i32
    %sign3A_9 = arith.extui %sign3A_8 : i1 to i32
    %sign3A_10 = arith.constant 0 : i32
    %sign3A_11 = arith.cmpi slt, %jit3A, %sign3A_10 : i32
    %sign3A_12 = arith.extui %sign3A_11 : i1 to i32
    %sign3A_13 = arith.subi %sign3A_9, %sign3A_12 : i32
    %ne3A = arith.cmpi ne, %sign3A_6, %sign3A_13 : i32
    %rem3A = arith.remsi %add3A, %jit3A : i32
    %ne3A_14 = arith.constant 0 : i32
    %ne3A_15 = arith.cmpi ne, %rem3A, %ne3A_14 : i32
    %and3A = arith.andi %ne3A, %ne3A_15 : i1
    %sub3A = arith.constant 1 : i32
    %sub3A_16 = arith.subi %div3A, %sub3A : i32
    %select_n3A = arith.select %and3A, %sub3A_16, %div3A : i32
    %mul3A_17 = arith.constant 7168 : i32
    %mul3A_18 = arith.muli %add3A, %mul3A_17 : i32
    "tpu.region"() ({
      %run_scoped3A = tpu.sem_alloc : memref<!tpu.dma_semaphore, #tpu.memory_space<semaphore_mem>>
      %dma_start3A_37 = tpu.memref_slice %arg2[%mul3A_18] : memref<229376xi32, #tpu.memory_space<hbm>> -> memref<7168xi32, #tpu.memory_space<hbm>>
      %dma_start3A_38 = tpu.memref_slice %arg2[%mul3A_18] : memref<229376xi32, #tpu.memory_space<hbm>> -> memref<7168xi32, #tpu.memory_space<hbm>>
      tpu.enqueue_dma source(%dma_start3A_38 : memref<7168xi32, #tpu.memory_space<hbm>>) target(%arg5 : memref<7168xi32, #tpu.memory_space<vmem>>) target_semaphore(%run_scoped3A : memref<!tpu.dma_semaphore, #tpu.memory_space<semaphore_mem>>)
      %dma_wait3A = tpu.memref_slice %arg2[%mul3A_18] : memref<229376xi32, #tpu.memory_space<hbm>> -> memref<7168xi32, #tpu.memory_space<hbm>>
      %dma_wait3A_39 = tpu.memref_slice %arg2[%mul3A_18] : memref<229376xi32, #tpu.memory_space<hbm>> -> memref<7168xi32, #tpu.memory_space<hbm>>
      tpu.wait_dma2 semaphore(%run_scoped3A : memref<!tpu.dma_semaphore, #tpu.memory_space<semaphore_mem>>) src(%dma_wait3A_39 : memref<7168xi32, #tpu.memory_space<hbm>>) dst(%arg5 : memref<7168xi32, #tpu.memory_space<vmem>>)
      tpu.yield
    }) : () -> ()
    %dma_start3A = arith.constant 0 : i32
    %dma_start3A_19 = arith.constant 0 : i32
    %dma_start3A_20 = arith.constant 0 : i32
    %dma_start3A_21 = tpu.memref_slice %arg6[%dma_start3A, %dma_start3A_19, %dma_start3A_20] : memref<2x128x128xf32, #tpu.memory_space<vmem>> -> memref<1x128x128xf32, #tpu.memory_space<vmem>>
    %dma_start3A_22 = tpu.memref_squeeze %dma_start3A_21 : memref<1x128x128xf32, #tpu.memory_space<vmem>> -> memref<128x128xf32, #tpu.memory_space<vmem>>
    %dma_start3A_23 = arith.constant 0 : i32
    %dma_start3A_24 = tpu.memref_slice %arg5[%dma_start3A_23] : memref<7168xi32, #tpu.memory_space<vmem>> -> memref<128xi32, #tpu.memory_space<vmem>>
    %dma_start3A_25 = arith.constant 0 : i32
    %dma_start3A_26 = arith.constant 0 : i32
    %dma_start3A_27 = tpu.memref_slice %arg3[%select_n3A, %dma_start3A_25, %dma_start3A_26] : memref<4x100002x128xf32, #tpu.memory_space<hbm>> -> memref<1x100002x128xf32, #tpu.memory_space<hbm>>
    %dma_start3A_28 = tpu.memref_squeeze %dma_start3A_27 : memref<1x100002x128xf32, #tpu.memory_space<hbm>> -> memref<100002x128xf32, #tpu.memory_space<hbm>>
    %dma_start3A_29 = arith.constant 0 : i32
    %dma_start3A_30 = arith.constant 0 : i32
    %dma_start3A_31 = tpu.memref_slice %dma_start3A_28[%dma_start3A_29, %dma_start3A_30] : memref<100002x128xf32, #tpu.memory_space<hbm>> -> memref<100002x128xf32, #tpu.memory_space<hbm>>
    tpu.enqueue_indirect_dma source(%dma_start3A_31 : memref<100002x128xf32, #tpu.memory_space<hbm>>) target(%dma_start3A_22 : memref<128x128xf32, #tpu.memory_space<vmem>>) offsets(%dma_start3A_24 : memref<128xi32, #tpu.memory_space<vmem>>) semaphore(%arg7 : memref<!tpu.dma_semaphore, #tpu.memory_space<semaphore_mem>>)
    %scan3A = arith.constant 0 : i32
    %scan3A_32 = arith.constant 0 : i32
    %scan3A_33 = arith.constant 28 : i32
    %scan3A_34 = arith.addi %scan3A_32, %scan3A_33 : i32
    %scan3A_35 = arith.constant 1 : i32
    scf.for %scan3A_37 = %scan3A_32 to %scan3A_34 step %scan3A_35  : i32 {
      %mul3A_38 = arith.constant 2 : i32
      %mul3A_39 = arith.muli %mul3A_38, %scan3A_37 : i32
      %add3A_40 = arith.constant 0 : i32
      %add3A_41 = arith.addi %mul3A_39, %add3A_40 : i32
      %add3A_42 = arith.constant 1 : i32
      %add3A_43 = arith.addi %add3A_41, %add3A_42 : i32
      %lt3A = arith.constant 56 : i32
      %lt3A_44 = arith.cmpi slt, %add3A_43, %lt3A : i32
      %convert_element_type3A = arith.extui %lt3A_44 : i1 to i32
      %cond3A = arith.constant 0 : i32
      %cond3A_45 = arith.cmpi ne, %convert_element_type3A, %cond3A : i32
      scf.if %cond3A_45 {
        %add3A_109 = arith.constant 1 : i32
        %add3A_110 = arith.addi %add3A_41, %add3A_109 : i32
        %mul3A_111 = arith.constant 128 : i32
        %mul3A_112 = arith.muli %add3A_110, %mul3A_111 : i32
        %dma_start3A_113 = arith.constant 1 : i32
        %dma_start3A_114 = arith.constant 0 : i32
        %dma_start3A_115 = arith.constant 0 : i32
        %dma_start3A_116 = tpu.memref_slice %arg6[%dma_start3A_113, %dma_start3A_114, %dma_start3A_115] : memref<2x128x128xf32, #tpu.memory_space<vmem>> -> memref<1x128x128xf32, #tpu.memory_space<vmem>>
        %dma_start3A_117 = tpu.memref_squeeze %dma_start3A_116 : memref<1x128x128xf32, #tpu.memory_space<vmem>> -> memref<128x128xf32, #tpu.memory_space<vmem>>
        %dma_start3A_118 = tpu.memref_slice %arg5[%mul3A_112] : memref<7168xi32, #tpu.memory_space<vmem>> -> memref<128xi32, #tpu.memory_space<vmem>>
        %dma_start3A_119 = arith.constant 0 : i32
        %dma_start3A_120 = arith.constant 0 : i32
        %dma_start3A_121 = tpu.memref_slice %arg3[%select_n3A, %dma_start3A_119, %dma_start3A_120] : memref<4x100002x128xf32, #tpu.memory_space<hbm>> -> memref<1x100002x128xf32, #tpu.memory_space<hbm>>
        %dma_start3A_122 = tpu.memref_squeeze %dma_start3A_121 : memref<1x100002x128xf32, #tpu.memory_space<hbm>> -> memref<100002x128xf32, #tpu.memory_space<hbm>>
        %dma_start3A_123 = arith.constant 0 : i32
        %dma_start3A_124 = arith.constant 0 : i32
        %dma_start3A_125 = tpu.memref_slice %dma_start3A_122[%dma_start3A_123, %dma_start3A_124] : memref<100002x128xf32, #tpu.memory_space<hbm>> -> memref<100002x128xf32, #tpu.memory_space<hbm>>
        tpu.enqueue_indirect_dma source(%dma_start3A_125 : memref<100002x128xf32, #tpu.memory_space<hbm>>) target(%dma_start3A_117 : memref<128x128xf32, #tpu.memory_space<vmem>>) offsets(%dma_start3A_118 : memref<128xi32, #tpu.memory_space<vmem>>) semaphore(%arg8 : memref<!tpu.dma_semaphore, #tpu.memory_space<semaphore_mem>>)
      } else {
      }
      %dma_wait3A = arith.constant 0 : i32
      %dma_wait3A_46 = arith.constant 0 : i32
      %dma_wait3A_47 = arith.constant 0 : i32
      %dma_wait3A_48 = tpu.memref_slice %arg6[%dma_wait3A, %dma_wait3A_46, %dma_wait3A_47] : memref<2x128x128xf32, #tpu.memory_space<vmem>> -> memref<1x128x128xf32, #tpu.memory_space<vmem>>
      %dma_wait3A_49 = tpu.memref_squeeze %dma_wait3A_48 : memref<1x128x128xf32, #tpu.memory_space<vmem>> -> memref<128x128xf32, #tpu.memory_space<vmem>>
      %dma_wait3A_50 = arith.constant 0 : i32
      %dma_wait3A_51 = arith.constant 0 : i32
      %dma_wait3A_52 = tpu.memref_slice %arg3[%select_n3A, %dma_wait3A_50, %dma_wait3A_51] : memref<4x100002x128xf32, #tpu.memory_space<hbm>> -> memref<1x100002x128xf32, #tpu.memory_space<hbm>>
      %dma_wait3A_53 = tpu.memref_squeeze %dma_wait3A_52 : memref<1x100002x128xf32, #tpu.memory_space<hbm>> -> memref<100002x128xf32, #tpu.memory_space<hbm>>
      %dma_wait3A_54 = arith.constant 0 : i32
      %dma_wait3A_55 = arith.constant 0 : i32
      %dma_wait3A_56 = tpu.memref_slice %dma_wait3A_53[%dma_wait3A_54, %dma_wait3A_55] : memref<100002x128xf32, #tpu.memory_space<hbm>> -> memref<128x128xf32, #tpu.memory_space<hbm>>
      %dma_wait3A_57 = arith.constant 0 : i32
      %dma_wait3A_58 = arith.constant 0 : i32
      %dma_wait3A_59 = tpu.memref_slice %arg6[%dma_wait3A, %dma_wait3A_57, %dma_wait3A_58] : memref<2x128x128xf32, #tpu.memory_space<vmem>> -> memref<1x128x128xf32, #tpu.memory_space<vmem>>
      %dma_wait3A_60 = tpu.memref_squeeze %dma_wait3A_59 : memref<1x128x128xf32, #tpu.memory_space<vmem>> -> memref<128x128xf32, #tpu.memory_space<vmem>>
      %dma_wait3A_61 = arith.constant 0 : i32
      %dma_wait3A_62 = arith.constant 0 : i32
      %dma_wait3A_63 = tpu.memref_slice %arg3[%select_n3A, %dma_wait3A_61, %dma_wait3A_62] : memref<4x100002x128xf32, #tpu.memory_space<hbm>> -> memref<1x100002x128xf32, #tpu.memory_space<hbm>>
      %dma_wait3A_64 = tpu.memref_squeeze %dma_wait3A_63 : memref<1x100002x128xf32, #tpu.memory_space<hbm>> -> memref<100002x128xf32, #tpu.memory_space<hbm>>
      %dma_wait3A_65 = arith.constant 0 : i32
      %dma_wait3A_66 = arith.constant 0 : i32
      %dma_wait3A_67 = tpu.memref_slice %dma_wait3A_64[%dma_wait3A_65, %dma_wait3A_66] : memref<100002x128xf32, #tpu.memory_space<hbm>> -> memref<128x128xf32, #tpu.memory_space<hbm>>
      tpu.wait_dma2 semaphore(%arg7 : memref<!tpu.dma_semaphore, #tpu.memory_space<semaphore_mem>>) src(%dma_wait3A_67 : memref<128x128xf32, #tpu.memory_space<hbm>>) dst(%dma_wait3A_60 : memref<128x128xf32, #tpu.memory_space<vmem>>)
      %mul3A_68 = arith.constant 128 : i32
      %mul3A_69 = arith.muli %add3A_41, %mul3A_68 : i32
      %add3A_70 = arith.addi %mul3A_18, %mul3A_69 : i32
      %run_scoped3A = arith.constant 0 : i32
      "tpu.region"() ({
        %run_scoped3A_109 = tpu.sem_alloc : memref<!tpu.dma_semaphore, #tpu.memory_space<semaphore_mem>>
        %dma_start3A_110 = arith.constant 0 : i32
        %dma_start3A_111 = arith.constant 0 : i32
        %dma_start3A_112 = tpu.memref_slice %arg6[%run_scoped3A, %dma_start3A_110, %dma_start3A_111] : memref<2x128x128xf32, #tpu.memory_space<vmem>> -> memref<1x128x128xf32, #tpu.memory_space<vmem>>
        %dma_start3A_113 = tpu.memref_squeeze %dma_start3A_112 : memref<1x128x128xf32, #tpu.memory_space<vmem>> -> memref<128x128xf32, #tpu.memory_space<vmem>>
        %dma_start3A_114 = arith.constant 0 : i32
        %dma_start3A_115 = tpu.memref_slice %arg4[%add3A_70, %dma_start3A_114] : memref<229376x128xf32, #tpu.memory_space<hbm>> -> memref<128x128xf32, #tpu.memory_space<hbm>>
        %dma_start3A_116 = arith.constant 0 : i32
        %dma_start3A_117 = tpu.memref_slice %arg4[%add3A_70, %dma_start3A_116] : memref<229376x128xf32, #tpu.memory_space<hbm>> -> memref<128x128xf32, #tpu.memory_space<hbm>>
        %dma_start3A_118 = arith.constant 0 : i32
        %dma_start3A_119 = arith.constant 0 : i32
        %dma_start3A_120 = tpu.memref_slice %arg6[%run_scoped3A, %dma_start3A_118, %dma_start3A_119] : memref<2x128x128xf32, #tpu.memory_space<vmem>> -> memref<1x128x128xf32, #tpu.memory_space<vmem>>
        %dma_start3A_121 = tpu.memref_squeeze %dma_start3A_120 : memref<1x128x128xf32, #tpu.memory_space<vmem>> -> memref<128x128xf32, #tpu.memory_space<vmem>>
        tpu.enqueue_dma source(%dma_start3A_121 : memref<128x128xf32, #tpu.memory_space<vmem>>) target(%dma_start3A_117 : memref<128x128xf32, #tpu.memory_space<hbm>>) target_semaphore(%run_scoped3A_109 : memref<!tpu.dma_semaphore, #tpu.memory_space<semaphore_mem>>)
        %dma_wait3A_122 = arith.constant 0 : i32
        %dma_wait3A_123 = arith.constant 0 : i32
        %dma_wait3A_124 = tpu.memref_slice %arg6[%run_scoped3A, %dma_wait3A_122, %dma_wait3A_123] : memref<2x128x128xf32, #tpu.memory_space<vmem>> -> memref<1x128x128xf32, #tpu.memory_space<vmem>>
        %dma_wait3A_125 = tpu.memref_squeeze %dma_wait3A_124 : memref<1x128x128xf32, #tpu.memory_space<vmem>> -> memref<128x128xf32, #tpu.memory_space<vmem>>
        %dma_wait3A_126 = arith.constant 0 : i32
        %dma_wait3A_127 = tpu.memref_slice %arg4[%add3A_70, %dma_wait3A_126] : memref<229376x128xf32, #tpu.memory_space<hbm>> -> memref<128x128xf32, #tpu.memory_space<hbm>>
        %dma_wait3A_128 = arith.constant 0 : i32
        %dma_wait3A_129 = tpu.memref_slice %arg4[%add3A_70, %dma_wait3A_128] : memref<229376x128xf32, #tpu.memory_space<hbm>> -> memref<128x128xf32, #tpu.memory_space<hbm>>
        %dma_wait3A_130 = arith.constant 0 : i32
        %dma_wait3A_131 = arith.constant 0 : i32
        %dma_wait3A_132 = tpu.memref_slice %arg6[%run_scoped3A, %dma_wait3A_130, %dma_wait3A_131] : memref<2x128x128xf32, #tpu.memory_space<vmem>> -> memref<1x128x128xf32, #tpu.memory_space<vmem>>
        %dma_wait3A_133 = tpu.memref_squeeze %dma_wait3A_132 : memref<1x128x128xf32, #tpu.memory_space<vmem>> -> memref<128x128xf32, #tpu.memory_space<vmem>>
        tpu.wait_dma2 semaphore(%run_scoped3A_109 : memref<!tpu.dma_semaphore, #tpu.memory_space<semaphore_mem>>) src(%dma_wait3A_133 : memref<128x128xf32, #tpu.memory_space<vmem>>) dst(%dma_wait3A_129 : memref<128x128xf32, #tpu.memory_space<hbm>>)
        tpu.yield
      }) : () -> ()
      %mul3A_71 = arith.constant 2 : i32
      %mul3A_72 = arith.muli %mul3A_71, %scan3A_37 : i32
      %add3A_73 = arith.constant 1 : i32
      %add3A_74 = arith.addi %mul3A_72, %add3A_73 : i32
      %add3A_75 = arith.constant 1 : i32
      %add3A_76 = arith.addi %add3A_74, %add3A_75 : i32
      %lt3A_77 = arith.constant 56 : i32
      %lt3A_78 = arith.cmpi slt, %add3A_76, %lt3A_77 : i32
      %convert_element_type3A_79 = arith.extui %lt3A_78 : i1 to i32
      %cond3A_80 = arith.constant 0 : i32
      %cond3A_81 = arith.cmpi ne, %convert_element_type3A_79, %cond3A_80 : i32
      scf.if %cond3A_81 {
        %add3A_109 = arith.constant 1 : i32
        %add3A_110 = arith.addi %add3A_74, %add3A_109 : i32
        %mul3A_111 = arith.constant 128 : i32
        %mul3A_112 = arith.muli %add3A_110, %mul3A_111 : i32
        %dma_start3A_113 = arith.constant 0 : i32
        %dma_start3A_114 = arith.constant 0 : i32
        %dma_start3A_115 = arith.constant 0 : i32
        %dma_start3A_116 = tpu.memref_slice %arg6[%dma_start3A_113, %dma_start3A_114, %dma_start3A_115] : memref<2x128x128xf32, #tpu.memory_space<vmem>> -> memref<1x128x128xf32, #tpu.memory_space<vmem>>
        %dma_start3A_117 = tpu.memref_squeeze %dma_start3A_116 : memref<1x128x128xf32, #tpu.memory_space<vmem>> -> memref<128x128xf32, #tpu.memory_space<vmem>>
        %dma_start3A_118 = tpu.memref_slice %arg5[%mul3A_112] : memref<7168xi32, #tpu.memory_space<vmem>> -> memref<128xi32, #tpu.memory_space<vmem>>
        %dma_start3A_119 = arith.constant 0 : i32
        %dma_start3A_120 = arith.constant 0 : i32
        %dma_start3A_121 = tpu.memref_slice %arg3[%select_n3A, %dma_start3A_119, %dma_start3A_120] : memref<4x100002x128xf32, #tpu.memory_space<hbm>> -> memref<1x100002x128xf32, #tpu.memory_space<hbm>>
        %dma_start3A_122 = tpu.memref_squeeze %dma_start3A_121 : memref<1x100002x128xf32, #tpu.memory_space<hbm>> -> memref<100002x128xf32, #tpu.memory_space<hbm>>
        %dma_start3A_123 = arith.constant 0 : i32
        %dma_start3A_124 = arith.constant 0 : i32
        %dma_start3A_125 = tpu.memref_slice %dma_start3A_122[%dma_start3A_123, %dma_start3A_124] : memref<100002x128xf32, #tpu.memory_space<hbm>> -> memref<100002x128xf32, #tpu.memory_space<hbm>>
        tpu.enqueue_indirect_dma source(%dma_start3A_125 : memref<100002x128xf32, #tpu.memory_space<hbm>>) target(%dma_start3A_117 : memref<128x128xf32, #tpu.memory_space<vmem>>) offsets(%dma_start3A_118 : memref<128xi32, #tpu.memory_space<vmem>>) semaphore(%arg7 : memref<!tpu.dma_semaphore, #tpu.memory_space<semaphore_mem>>)
      } else {
      }
      %dma_wait3A_82 = arith.constant 1 : i32
      %dma_wait3A_83 = arith.constant 0 : i32
      %dma_wait3A_84 = arith.constant 0 : i32
      %dma_wait3A_85 = tpu.memref_slice %arg6[%dma_wait3A_82, %dma_wait3A_83, %dma_wait3A_84] : memref<2x128x128xf32, #tpu.memory_space<vmem>> -> memref<1x128x128xf32, #tpu.memory_space<vmem>>
      %dma_wait3A_86 = tpu.memref_squeeze %dma_wait3A_85 : memref<1x128x128xf32, #tpu.memory_space<vmem>> -> memref<128x128xf32, #tpu.memory_space<vmem>>
      %dma_wait3A_87 = arith.constant 0 : i32
      %dma_wait3A_88 = arith.constant 0 : i32
      %dma_wait3A_89 = tpu.memref_slice %arg3[%select_n3A, %dma_wait3A_87, %dma_wait3A_88] : memref<4x100002x128xf32, #tpu.memory_space<hbm>> -> memref<1x100002x128xf32, #tpu.memory_space<hbm>>
      %dma_wait3A_90 = tpu.memref_squeeze %dma_wait3A_89 : memref<1x100002x128xf32, #tpu.memory_space<hbm>> -> memref<100002x128xf32, #tpu.memory_space<hbm>>
      %dma_wait3A_91 = arith.constant 0 : i32
      %dma_wait3A_92 = arith.constant 0 : i32
      %dma_wait3A_93 = tpu.memref_slice %dma_wait3A_90[%dma_wait3A_91, %dma_wait3A_92] : memref<100002x128xf32, #tpu.memory_space<hbm>> -> memref<128x128xf32, #tpu.memory_space<hbm>>
      %dma_wait3A_94 = arith.constant 0 : i32
      %dma_wait3A_95 = arith.constant 0 : i32
      %dma_wait3A_96 = tpu.memref_slice %arg6[%dma_wait3A_82, %dma_wait3A_94, %dma_wait3A_95] : memref<2x128x128xf32, #tpu.memory_space<vmem>> -> memref<1x128x128xf32, #tpu.memory_space<vmem>>
      %dma_wait3A_97 = tpu.memref_squeeze %dma_wait3A_96 : memref<1x128x128xf32, #tpu.memory_space<vmem>> -> memref<128x128xf32, #tpu.memory_space<vmem>>
      %dma_wait3A_98 = arith.constant 0 : i32
      %dma_wait3A_99 = arith.constant 0 : i32
      %dma_wait3A_100 = tpu.memref_slice %arg3[%select_n3A, %dma_wait3A_98, %dma_wait3A_99] : memref<4x100002x128xf32, #tpu.memory_space<hbm>> -> memref<1x100002x128xf32, #tpu.memory_space<hbm>>
      %dma_wait3A_101 = tpu.memref_squeeze %dma_wait3A_100 : memref<1x100002x128xf32, #tpu.memory_space<hbm>> -> memref<100002x128xf32, #tpu.memory_space<hbm>>
      %dma_wait3A_102 = arith.constant 0 : i32
      %dma_wait3A_103 = arith.constant 0 : i32
      %dma_wait3A_104 = tpu.memref_slice %dma_wait3A_101[%dma_wait3A_102, %dma_wait3A_103] : memref<100002x128xf32, #tpu.memory_space<hbm>> -> memref<128x128xf32, #tpu.memory_space<hbm>>
      tpu.wait_dma2 semaphore(%arg8 : memref<!tpu.dma_semaphore, #tpu.memory_space<semaphore_mem>>) src(%dma_wait3A_104 : memref<128x128xf32, #tpu.memory_space<hbm>>) dst(%dma_wait3A_97 : memref<128x128xf32, #tpu.memory_space<vmem>>)
      %mul3A_105 = arith.constant 128 : i32
      %mul3A_106 = arith.muli %add3A_74, %mul3A_105 : i32
      %add3A_107 = arith.addi %mul3A_18, %mul3A_106 : i32
      %run_scoped3A_108 = arith.constant 1 : i32
      "tpu.region"() ({
        %run_scoped3A_109 = tpu.sem_alloc : memref<!tpu.dma_semaphore, #tpu.memory_space<semaphore_mem>>
        %dma_start3A_110 = arith.constant 0 : i32
        %dma_start3A_111 = arith.constant 0 : i32
        %dma_start3A_112 = tpu.memref_slice %arg6[%run_scoped3A_108, %dma_start3A_110, %dma_start3A_111] : memref<2x128x128xf32, #tpu.memory_space<vmem>> -> memref<1x128x128xf32, #tpu.memory_space<vmem>>
        %dma_start3A_113 = tpu.memref_squeeze %dma_start3A_112 : memref<1x128x128xf32, #tpu.memory_space<vmem>> -> memref<128x128xf32, #tpu.memory_space<vmem>>
        %dma_start3A_114 = arith.constant 0 : i32
        %dma_start3A_115 = tpu.memref_slice %arg4[%add3A_107, %dma_start3A_114] : memref<229376x128xf32, #tpu.memory_space<hbm>> -> memref<128x128xf32, #tpu.memory_space<hbm>>
        %dma_start3A_116 = arith.constant 0 : i32
        %dma_start3A_117 = tpu.memref_slice %arg4[%add3A_107, %dma_start3A_116] : memref<229376x128xf32, #tpu.memory_space<hbm>> -> memref<128x128xf32, #tpu.memory_space<hbm>>
        %dma_start3A_118 = arith.constant 0 : i32
        %dma_start3A_119 = arith.constant 0 : i32
        %dma_start3A_120 = tpu.memref_slice %arg6[%run_scoped3A_108, %dma_start3A_118, %dma_start3A_119] : memref<2x128x128xf32, #tpu.memory_space<vmem>> -> memref<1x128x128xf32, #tpu.memory_space<vmem>>
        %dma_start3A_121 = tpu.memref_squeeze %dma_start3A_120 : memref<1x128x128xf32, #tpu.memory_space<vmem>> -> memref<128x128xf32, #tpu.memory_space<vmem>>
        tpu.enqueue_dma source(%dma_start3A_121 : memref<128x128xf32, #tpu.memory_space<vmem>>) target(%dma_start3A_117 : memref<128x128xf32, #tpu.memory_space<hbm>>) target_semaphore(%run_scoped3A_109 : memref<!tpu.dma_semaphore, #tpu.memory_space<semaphore_mem>>)
        %dma_wait3A_122 = arith.constant 0 : i32
        %dma_wait3A_123 = arith.constant 0 : i32
        %dma_wait3A_124 = tpu.memref_slice %arg6[%run_scoped3A_108, %dma_wait3A_122, %dma_wait3A_123] : memref<2x128x128xf32, #tpu.memory_space<vmem>> -> memref<1x128x128xf32, #tpu.memory_space<vmem>>
        %dma_wait3A_125 = tpu.memref_squeeze %dma_wait3A_124 : memref<1x128x128xf32, #tpu.memory_space<vmem>> -> memref<128x128xf32, #tpu.memory_space<vmem>>
        %dma_wait3A_126 = arith.constant 0 : i32
        %dma_wait3A_127 = tpu.memref_slice %arg4[%add3A_107, %dma_wait3A_126] : memref<229376x128xf32, #tpu.memory_space<hbm>> -> memref<128x128xf32, #tpu.memory_space<hbm>>
        %dma_wait3A_128 = arith.constant 0 : i32
        %dma_wait3A_129 = tpu.memref_slice %arg4[%add3A_107, %dma_wait3A_128] : memref<229376x128xf32, #tpu.memory_space<hbm>> -> memref<128x128xf32, #tpu.memory_space<hbm>>
        %dma_wait3A_130 = arith.constant 0 : i32
        %dma_wait3A_131 = arith.constant 0 : i32
        %dma_wait3A_132 = tpu.memref_slice %arg6[%run_scoped3A_108, %dma_wait3A_130, %dma_wait3A_131] : memref<2x128x128xf32, #tpu.memory_space<vmem>> -> memref<1x128x128xf32, #tpu.memory_space<vmem>>
        %dma_wait3A_133 = tpu.memref_squeeze %dma_wait3A_132 : memref<1x128x128xf32, #tpu.memory_space<vmem>> -> memref<128x128xf32, #tpu.memory_space<vmem>>
        tpu.wait_dma2 semaphore(%run_scoped3A_109 : memref<!tpu.dma_semaphore, #tpu.memory_space<semaphore_mem>>) src(%dma_wait3A_133 : memref<128x128xf32, #tpu.memory_space<vmem>>) dst(%dma_wait3A_129 : memref<128x128xf32, #tpu.memory_space<hbm>>)
        tpu.yield
      }) : () -> ()
    }
    %scan3A_36 = arith.constant 28 : i32
    return
  }
}

#map = affine_map<(d0, d1) -> (0)>
module attributes {stable_mosaic.version = 14 : i64} {
  func.func @map_kernel(%arg0: i32, %arg1: i32, %arg2: memref<57344xi32, #tpu.memory_space<hbm>>, %arg3: memref<400008xi32, #tpu.memory_space<hbm>>, %arg4: memref<229376xi32, #tpu.memory_space<hbm>>, %arg5: memref<7168xi32, #tpu.memory_space<vmem>>, %arg6: memref<2x128xi32, #tpu.memory_space<vmem>>, %arg7: memref<2x128xi32, #tpu.memory_space<vmem>>, %arg8: memref<!tpu.dma_semaphore, #tpu.memory_space<semaphore_mem>>, %arg9: memref<!tpu.dma_semaphore, #tpu.memory_space<semaphore_mem>>) attributes {dimension_semantics = [#tpu.dimension_semantics<core_parallel>, #tpu.dimension_semantics<subcore_parallel>], iteration_bounds = array<i64: 2, 16>, scalar_prefetch = 0 : i64, scratch_operands = 5 : i64, tpu.core_type = #tpu.core_type<sc_vector_subcore>, window_params = [{transform_indices = #map}, {transform_indices = #map}, {transform_indices = #map}]} {
    %mul3A = arith.constant 2 : i32
    %mul3A_0 = arith.muli %arg1, %mul3A : i32
    %add3A = arith.addi %mul3A_0, %arg0 : i32
    %jit3A = arith.constant 8 : i32
    %div3A = arith.divsi %add3A, %jit3A : i32
    %sign3A = arith.constant 0 : i32
    %sign3A_1 = arith.cmpi sgt, %add3A, %sign3A : i32
    %sign3A_2 = arith.extui %sign3A_1 : i1 to i32
    %sign3A_3 = arith.constant 0 : i32
    %sign3A_4 = arith.cmpi slt, %add3A, %sign3A_3 : i32
    %sign3A_5 = arith.extui %sign3A_4 : i1 to i32
    %sign3A_6 = arith.subi %sign3A_2, %sign3A_5 : i32
    %sign3A_7 = arith.constant 0 : i32
    %sign3A_8 = arith.cmpi sgt, %jit3A, %sign3A_7 : i32
    %sign3A_9 = arith.extui %sign3A_8 : i1 to i32
    %sign3A_10 = arith.constant 0 : i32
    %sign3A_11 = arith.cmpi slt, %jit3A, %sign3A_10 : i32
    %sign3A_12 = arith.extui %sign3A_11 : i1 to i32
    %sign3A_13 = arith.subi %sign3A_9, %sign3A_12 : i32
    %ne3A = arith.cmpi ne, %sign3A_6, %sign3A_13 : i32
    %rem3A = arith.remsi %add3A, %jit3A : i32
    %ne3A_14 = arith.constant 0 : i32
    %ne3A_15 = arith.cmpi ne, %rem3A, %ne3A_14 : i32
    %and3A = arith.andi %ne3A, %ne3A_15 : i1
    %sub3A = arith.constant 1 : i32
    %sub3A_16 = arith.subi %div3A, %sub3A : i32
    %select_n3A = arith.select %and3A, %sub3A_16, %div3A : i32
    %mul3A_17 = arith.constant 100002 : i32
    %mul3A_18 = arith.muli %select_n3A, %mul3A_17 : i32
    %mul3A_19 = arith.constant 8 : i32
    %mul3A_20 = arith.muli %select_n3A, %mul3A_19 : i32
    %sub3A_21 = arith.subi %add3A, %mul3A_20 : i32
    %mul3A_22 = arith.constant 7168 : i32
    %mul3A_23 = arith.muli %sub3A_21, %mul3A_22 : i32
    %mul3A_24 = arith.constant 57344 : i32
    %mul3A_25 = arith.muli %select_n3A, %mul3A_24 : i32
    %add3A_26 = arith.addi %mul3A_25, %mul3A_23 : i32
    "tpu.region"() ({
      %run_scoped3A = tpu.sem_alloc : memref<!tpu.dma_semaphore, #tpu.memory_space<semaphore_mem>>
      %dma_start3A_127 = tpu.memref_slice %arg2[%mul3A_23] : memref<57344xi32, #tpu.memory_space<hbm>> -> memref<7168xi32, #tpu.memory_space<hbm>>
      %dma_start3A_128 = tpu.memref_slice %arg2[%mul3A_23] : memref<57344xi32, #tpu.memory_space<hbm>> -> memref<7168xi32, #tpu.memory_space<hbm>>
      tpu.enqueue_dma source(%dma_start3A_128 : memref<7168xi32, #tpu.memory_space<hbm>>) target(%arg5 : memref<7168xi32, #tpu.memory_space<vmem>>) target_semaphore(%run_scoped3A : memref<!tpu.dma_semaphore, #tpu.memory_space<semaphore_mem>>)
      %dma_wait3A = tpu.memref_slice %arg2[%mul3A_23] : memref<57344xi32, #tpu.memory_space<hbm>> -> memref<7168xi32, #tpu.memory_space<hbm>>
      %dma_wait3A_129 = tpu.memref_slice %arg2[%mul3A_23] : memref<57344xi32, #tpu.memory_space<hbm>> -> memref<7168xi32, #tpu.memory_space<hbm>>
      tpu.wait_dma2 semaphore(%run_scoped3A : memref<!tpu.dma_semaphore, #tpu.memory_space<semaphore_mem>>) src(%dma_wait3A_129 : memref<7168xi32, #tpu.memory_space<hbm>>) dst(%arg5 : memref<7168xi32, #tpu.memory_space<vmem>>)
      tpu.yield
    }) : () -> ()
    %get3A = arith.constant 0 : index
    %get3A_27 = tpu.vector_load %arg5[%get3A] {strides = array<i32>} : memref<7168xi32, #tpu.memory_space<vmem>>, vector<16xi32>,
    %get3A_28 = vector.shape_cast %get3A_27 : vector<16xi32> to vector<16xi32>
    %add3A_29 = vector.broadcast %mul3A_18 : i32 to vector<16xi32>
    %add3A_30 = arith.addi %get3A_28, %add3A_29 : vector<16xi32>
    %swap3A = arith.constant 0 : i32
    %swap3A_31 = arith.index_cast %swap3A : i32 to index
    %swap3A_32 = arith.constant 0 : index
    %swap3A_33 = tpu.vector_load %arg6[%swap3A_31, %swap3A_32] {strides = array<i32>} : memref<2x128xi32, #tpu.memory_space<vmem>>, vector<1x16xi32>,
    %swap3A_34 = vector.shape_cast %swap3A_33 : vector<1x16xi32> to vector<16xi32>
    %swap3A_35 = vector.shape_cast %add3A_30 : vector<16xi32> to vector<1x16xi32>
    tpu.vector_store %arg6[%swap3A_31, %swap3A_32], %swap3A_35 {strides = array<i32>} : memref<2x128xi32, #tpu.memory_space<vmem>>, vector<1x16xi32>,
    %get3A_36 = arith.constant 16 : index
    %get3A_37 = tpu.vector_load %arg5[%get3A_36] {strides = array<i32>} : memref<7168xi32, #tpu.memory_space<vmem>>, vector<16xi32>,
    %get3A_38 = vector.shape_cast %get3A_37 : vector<16xi32> to vector<16xi32>
    %add3A_39 = vector.broadcast %mul3A_18 : i32 to vector<16xi32>
    %add3A_40 = arith.addi %get3A_38, %add3A_39 : vector<16xi32>
    %swap3A_41 = arith.constant 0 : i32
    %swap3A_42 = arith.index_cast %swap3A_41 : i32 to index
    %swap3A_43 = arith.constant 16 : index
    %swap3A_44 = tpu.vector_load %arg6[%swap3A_42, %swap3A_43] {strides = array<i32>} : memref<2x128xi32, #tpu.memory_space<vmem>>, vector<1x16xi32>,
    %swap3A_45 = vector.shape_cast %swap3A_44 : vector<1x16xi32> to vector<16xi32>
    %swap3A_46 = vector.shape_cast %add3A_40 : vector<16xi32> to vector<1x16xi32>
    tpu.vector_store %arg6[%swap3A_42, %swap3A_43], %swap3A_46 {strides = array<i32>} : memref<2x128xi32, #tpu.memory_space<vmem>>, vector<1x16xi32>,
    %get3A_47 = arith.constant 32 : index
    %get3A_48 = tpu.vector_load %arg5[%get3A_47] {strides = array<i32>} : memref<7168xi32, #tpu.memory_space<vmem>>, vector<16xi32>,
    %get3A_49 = vector.shape_cast %get3A_48 : vector<16xi32> to vector<16xi32>
    %add3A_50 = vector.broadcast %mul3A_18 : i32 to vector<16xi32>
    %add3A_51 = arith.addi %get3A_49, %add3A_50 : vector<16xi32>
    %swap3A_52 = arith.constant 0 : i32
    %swap3A_53 = arith.index_cast %swap3A_52 : i32 to index
    %swap3A_54 = arith.constant 32 : index
    %swap3A_55 = tpu.vector_load %arg6[%swap3A_53, %swap3A_54] {strides = array<i32>} : memref<2x128xi32, #tpu.memory_space<vmem>>, vector<1x16xi32>,
    %swap3A_56 = vector.shape_cast %swap3A_55 : vector<1x16xi32> to vector<16xi32>
    %swap3A_57 = vector.shape_cast %add3A_51 : vector<16xi32> to vector<1x16xi32>
    tpu.vector_store %arg6[%swap3A_53, %swap3A_54], %swap3A_57 {strides = array<i32>} : memref<2x128xi32, #tpu.memory_space<vmem>>, vector<1x16xi32>,
    %get3A_58 = arith.constant 48 : index
    %get3A_59 = tpu.vector_load %arg5[%get3A_58] {strides = array<i32>} : memref<7168xi32, #tpu.memory_space<vmem>>, vector<16xi32>,
    %get3A_60 = vector.shape_cast %get3A_59 : vector<16xi32> to vector<16xi32>
    %add3A_61 = vector.broadcast %mul3A_18 : i32 to vector<16xi32>
    %add3A_62 = arith.addi %get3A_60, %add3A_61 : vector<16xi32>
    %swap3A_63 = arith.constant 0 : i32
    %swap3A_64 = arith.index_cast %swap3A_63 : i32 to index
    %swap3A_65 = arith.constant 48 : index
    %swap3A_66 = tpu.vector_load %arg6[%swap3A_64, %swap3A_65] {strides = array<i32>} : memref<2x128xi32, #tpu.memory_space<vmem>>, vector<1x16xi32>,
    %swap3A_67 = vector.shape_cast %swap3A_66 : vector<1x16xi32> to vector<16xi32>
    %swap3A_68 = vector.shape_cast %add3A_62 : vector<16xi32> to vector<1x16xi32>
    tpu.vector_store %arg6[%swap3A_64, %swap3A_65], %swap3A_68 {strides = array<i32>} : memref<2x128xi32, #tpu.memory_space<vmem>>, vector<1x16xi32>,
    %get3A_69 = arith.constant 64 : index
    %get3A_70 = tpu.vector_load %arg5[%get3A_69] {strides = array<i32>} : memref<7168xi32, #tpu.memory_space<vmem>>, vector<16xi32>,
    %get3A_71 = vector.shape_cast %get3A_70 : vector<16xi32> to vector<16xi32>
    %add3A_72 = vector.broadcast %mul3A_18 : i32 to vector<16xi32>
    %add3A_73 = arith.addi %get3A_71, %add3A_72 : vector<16xi32>
    %swap3A_74 = arith.constant 0 : i32
    %swap3A_75 = arith.index_cast %swap3A_74 : i32 to index
    %swap3A_76 = arith.constant 64 : index
    %swap3A_77 = tpu.vector_load %arg6[%swap3A_75, %swap3A_76] {strides = array<i32>} : memref<2x128xi32, #tpu.memory_space<vmem>>, vector<1x16xi32>,
    %swap3A_78 = vector.shape_cast %swap3A_77 : vector<1x16xi32> to vector<16xi32>
    %swap3A_79 = vector.shape_cast %add3A_73 : vector<16xi32> to vector<1x16xi32>
    tpu.vector_store %arg6[%swap3A_75, %swap3A_76], %swap3A_79 {strides = array<i32>} : memref<2x128xi32, #tpu.memory_space<vmem>>, vector<1x16xi32>,
    %get3A_80 = arith.constant 80 : index
    %get3A_81 = tpu.vector_load %arg5[%get3A_80] {strides = array<i32>} : memref<7168xi32, #tpu.memory_space<vmem>>, vector<16xi32>,
    %get3A_82 = vector.shape_cast %get3A_81 : vector<16xi32> to vector<16xi32>
    %add3A_83 = vector.broadcast %mul3A_18 : i32 to vector<16xi32>
    %add3A_84 = arith.addi %get3A_82, %add3A_83 : vector<16xi32>
    %swap3A_85 = arith.constant 0 : i32
    %swap3A_86 = arith.index_cast %swap3A_85 : i32 to index
    %swap3A_87 = arith.constant 80 : index
    %swap3A_88 = tpu.vector_load %arg6[%swap3A_86, %swap3A_87] {strides = array<i32>} : memref<2x128xi32, #tpu.memory_space<vmem>>, vector<1x16xi32>,
    %swap3A_89 = vector.shape_cast %swap3A_88 : vector<1x16xi32> to vector<16xi32>
    %swap3A_90 = vector.shape_cast %add3A_84 : vector<16xi32> to vector<1x16xi32>
    tpu.vector_store %arg6[%swap3A_86, %swap3A_87], %swap3A_90 {strides = array<i32>} : memref<2x128xi32, #tpu.memory_space<vmem>>, vector<1x16xi32>,
    %get3A_91 = arith.constant 96 : index
    %get3A_92 = tpu.vector_load %arg5[%get3A_91] {strides = array<i32>} : memref<7168xi32, #tpu.memory_space<vmem>>, vector<16xi32>,
    %get3A_93 = vector.shape_cast %get3A_92 : vector<16xi32> to vector<16xi32>
    %add3A_94 = vector.broadcast %mul3A_18 : i32 to vector<16xi32>
    %add3A_95 = arith.addi %get3A_93, %add3A_94 : vector<16xi32>
    %swap3A_96 = arith.constant 0 : i32
    %swap3A_97 = arith.index_cast %swap3A_96 : i32 to index
    %swap3A_98 = arith.constant 96 : index
    %swap3A_99 = tpu.vector_load %arg6[%swap3A_97, %swap3A_98] {strides = array<i32>} : memref<2x128xi32, #tpu.memory_space<vmem>>, vector<1x16xi32>,
    %swap3A_100 = vector.shape_cast %swap3A_99 : vector<1x16xi32> to vector<16xi32>
    %swap3A_101 = vector.shape_cast %add3A_95 : vector<16xi32> to vector<1x16xi32>
    tpu.vector_store %arg6[%swap3A_97, %swap3A_98], %swap3A_101 {strides = array<i32>} : memref<2x128xi32, #tpu.memory_space<vmem>>, vector<1x16xi32>,
    %get3A_102 = arith.constant 112 : index
    %get3A_103 = tpu.vector_load %arg5[%get3A_102] {strides = array<i32>} : memref<7168xi32, #tpu.memory_space<vmem>>, vector<16xi32>,
    %get3A_104 = vector.shape_cast %get3A_103 : vector<16xi32> to vector<16xi32>
    %add3A_105 = vector.broadcast %mul3A_18 : i32 to vector<16xi32>
    %add3A_106 = arith.addi %get3A_104, %add3A_105 : vector<16xi32>
    %swap3A_107 = arith.constant 0 : i32
    %swap3A_108 = arith.index_cast %swap3A_107 : i32 to index
    %swap3A_109 = arith.constant 112 : index
    %swap3A_110 = tpu.vector_load %arg6[%swap3A_108, %swap3A_109] {strides = array<i32>} : memref<2x128xi32, #tpu.memory_space<vmem>>, vector<1x16xi32>,
    %swap3A_111 = vector.shape_cast %swap3A_110 : vector<1x16xi32> to vector<16xi32>
    %swap3A_112 = vector.shape_cast %add3A_106 : vector<16xi32> to vector<1x16xi32>
    tpu.vector_store %arg6[%swap3A_108, %swap3A_109], %swap3A_112 {strides = array<i32>} : memref<2x128xi32, #tpu.memory_space<vmem>>, vector<1x16xi32>,
    %dma_start3A = arith.constant 0 : i32
    %dma_start3A_113 = arith.constant 0 : i32
    %dma_start3A_114 = arith.constant 0 : i32
    %dma_start3A_115 = tpu.memref_slice %arg7[%dma_start3A_113, %dma_start3A_114] : memref<2x128xi32, #tpu.memory_space<vmem>> -> memref<1x128xi32, #tpu.memory_space<vmem>>
    %dma_start3A_116 = tpu.memref_squeeze %dma_start3A_115 : memref<1x128xi32, #tpu.memory_space<vmem>> -> memref<128xi32, #tpu.memory_space<vmem>>
    %dma_start3A_117 = arith.constant 0 : i32
    %dma_start3A_118 = tpu.memref_slice %arg6[%dma_start3A, %dma_start3A_117] : memref<2x128xi32, #tpu.memory_space<vmem>> -> memref<1x128xi32, #tpu.memory_space<vmem>>
    %dma_start3A_119 = tpu.memref_squeeze %dma_start3A_118 : memref<1x128xi32, #tpu.memory_space<vmem>> -> memref<128xi32, #tpu.memory_space<vmem>>
    %dma_start3A_120 = arith.constant 0 : i32
    %dma_start3A_121 = tpu.memref_slice %arg3[%dma_start3A_120] : memref<400008xi32, #tpu.memory_space<hbm>> -> memref<400008xi32, #tpu.memory_space<hbm>>
    tpu.enqueue_indirect_dma source(%dma_start3A_121 : memref<400008xi32, #tpu.memory_space<hbm>>) target(%dma_start3A_116 : memref<128xi32, #tpu.memory_space<vmem>>) offsets(%dma_start3A_119 : memref<128xi32, #tpu.memory_space<vmem>>) semaphore(%arg8 : memref<!tpu.dma_semaphore, #tpu.memory_space<semaphore_mem>>)
    %scan3A = arith.constant 0 : i32
    %scan3A_122 = arith.constant 0 : i32
    %scan3A_123 = arith.constant 28 : i32
    %scan3A_124 = arith.addi %scan3A_122, %scan3A_123 : i32
    %scan3A_125 = arith.constant 1 : i32
    scf.for %scan3A_127 = %scan3A_122 to %scan3A_124 step %scan3A_125  : i32 {
      %mul3A_128 = arith.constant 2 : i32
      %mul3A_129 = arith.muli %mul3A_128, %scan3A_127 : i32
      %add3A_130 = arith.constant 0 : i32
      %add3A_131 = arith.addi %mul3A_129, %add3A_130 : i32
      %add3A_132 = arith.constant 1 : i32
      %add3A_133 = arith.addi %add3A_131, %add3A_132 : i32
      %lt3A = arith.constant 56 : i32
      %lt3A_134 = arith.cmpi slt, %add3A_133, %lt3A : i32
      %convert_element_type3A = arith.extui %lt3A_134 : i1 to i32
      %cond3A = arith.constant 0 : i32
      %cond3A_135 = arith.cmpi ne, %convert_element_type3A, %cond3A : i32
      scf.if %cond3A_135 {
        %add3A_175 = arith.constant 1 : i32
        %add3A_176 = arith.addi %add3A_131, %add3A_175 : i32
        %mul3A_177 = arith.constant 128 : i32
        %mul3A_178 = arith.muli %add3A_176, %mul3A_177 : i32
        %add3A_179 = arith.constant 0 : i32
        %add3A_180 = arith.addi %mul3A_178, %add3A_179 : i32
        %get3A_181 = arith.index_cast %add3A_180 : i32 to index
        %get3A_182 = tpu.vector_load %arg5[%get3A_181] {strides = array<i32>} : memref<7168xi32, #tpu.memory_space<vmem>>, vector<16xi32>,
        %get3A_183 = vector.shape_cast %get3A_182 : vector<16xi32> to vector<16xi32>
        %add3A_184 = vector.broadcast %mul3A_18 : i32 to vector<16xi32>
        %add3A_185 = arith.addi %get3A_183, %add3A_184 : vector<16xi32>
        %swap3A_186 = arith.constant 1 : i32
        %swap3A_187 = arith.index_cast %swap3A_186 : i32 to index
        %swap3A_188 = arith.constant 0 : index
        %swap3A_189 = tpu.vector_load %arg6[%swap3A_187, %swap3A_188] {strides = array<i32>} : memref<2x128xi32, #tpu.memory_space<vmem>>, vector<1x16xi32>,
        %swap3A_190 = vector.shape_cast %swap3A_189 : vector<1x16xi32> to vector<16xi32>
        %swap3A_191 = vector.shape_cast %add3A_185 : vector<16xi32> to vector<1x16xi32>
        tpu.vector_store %arg6[%swap3A_187, %swap3A_188], %swap3A_191 {strides = array<i32>} : memref<2x128xi32, #tpu.memory_space<vmem>>, vector<1x16xi32>,
        %mul3A_192 = arith.constant 128 : i32
        %mul3A_193 = arith.muli %add3A_176, %mul3A_192 : i32
        %add3A_194 = arith.constant 16 : i32
        %add3A_195 = arith.addi %mul3A_193, %add3A_194 : i32
        %get3A_196 = arith.index_cast %add3A_195 : i32 to index
        %get3A_197 = tpu.vector_load %arg5[%get3A_196] {strides = array<i32>} : memref<7168xi32, #tpu.memory_space<vmem>>, vector<16xi32>,
        %get3A_198 = vector.shape_cast %get3A_197 : vector<16xi32> to vector<16xi32>
        %add3A_199 = vector.broadcast %mul3A_18 : i32 to vector<16xi32>
        %add3A_200 = arith.addi %get3A_198, %add3A_199 : vector<16xi32>
        %swap3A_201 = arith.constant 1 : i32
        %swap3A_202 = arith.index_cast %swap3A_201 : i32 to index
        %swap3A_203 = arith.constant 16 : index
        %swap3A_204 = tpu.vector_load %arg6[%swap3A_202, %swap3A_203] {strides = array<i32>} : memref<2x128xi32, #tpu.memory_space<vmem>>, vector<1x16xi32>,
        %swap3A_205 = vector.shape_cast %swap3A_204 : vector<1x16xi32> to vector<16xi32>
        %swap3A_206 = vector.shape_cast %add3A_200 : vector<16xi32> to vector<1x16xi32>
        tpu.vector_store %arg6[%swap3A_202, %swap3A_203], %swap3A_206 {strides = array<i32>} : memref<2x128xi32, #tpu.memory_space<vmem>>, vector<1x16xi32>,
        %mul3A_207 = arith.constant 128 : i32
        %mul3A_208 = arith.muli %add3A_176, %mul3A_207 : i32
        %add3A_209 = arith.constant 32 : i32
        %add3A_210 = arith.addi %mul3A_208, %add3A_209 : i32
        %get3A_211 = arith.index_cast %add3A_210 : i32 to index
        %get3A_212 = tpu.vector_load %arg5[%get3A_211] {strides = array<i32>} : memref<7168xi32, #tpu.memory_space<vmem>>, vector<16xi32>,
        %get3A_213 = vector.shape_cast %get3A_212 : vector<16xi32> to vector<16xi32>
        %add3A_214 = vector.broadcast %mul3A_18 : i32 to vector<16xi32>
        %add3A_215 = arith.addi %get3A_213, %add3A_214 : vector<16xi32>
        %swap3A_216 = arith.constant 1 : i32
        %swap3A_217 = arith.index_cast %swap3A_216 : i32 to index
        %swap3A_218 = arith.constant 32 : index
        %swap3A_219 = tpu.vector_load %arg6[%swap3A_217, %swap3A_218] {strides = array<i32>} : memref<2x128xi32, #tpu.memory_space<vmem>>, vector<1x16xi32>,
        %swap3A_220 = vector.shape_cast %swap3A_219 : vector<1x16xi32> to vector<16xi32>
        %swap3A_221 = vector.shape_cast %add3A_215 : vector<16xi32> to vector<1x16xi32>
        tpu.vector_store %arg6[%swap3A_217, %swap3A_218], %swap3A_221 {strides = array<i32>} : memref<2x128xi32, #tpu.memory_space<vmem>>, vector<1x16xi32>,
        %mul3A_222 = arith.constant 128 : i32
        %mul3A_223 = arith.muli %add3A_176, %mul3A_222 : i32
        %add3A_224 = arith.constant 48 : i32
        %add3A_225 = arith.addi %mul3A_223, %add3A_224 : i32
        %get3A_226 = arith.index_cast %add3A_225 : i32 to index
        %get3A_227 = tpu.vector_load %arg5[%get3A_226] {strides = array<i32>} : memref<7168xi32, #tpu.memory_space<vmem>>, vector<16xi32>,
        %get3A_228 = vector.shape_cast %get3A_227 : vector<16xi32> to vector<16xi32>
        %add3A_229 = vector.broadcast %mul3A_18 : i32 to vector<16xi32>
        %add3A_230 = arith.addi %get3A_228, %add3A_229 : vector<16xi32>
        %swap3A_231 = arith.constant 1 : i32
        %swap3A_232 = arith.index_cast %swap3A_231 : i32 to index
        %swap3A_233 = arith.constant 48 : index
        %swap3A_234 = tpu.vector_load %arg6[%swap3A_232, %swap3A_233] {strides = array<i32>} : memref<2x128xi32, #tpu.memory_space<vmem>>, vector<1x16xi32>,
        %swap3A_235 = vector.shape_cast %swap3A_234 : vector<1x16xi32> to vector<16xi32>
        %swap3A_236 = vector.shape_cast %add3A_230 : vector<16xi32> to vector<1x16xi32>
        tpu.vector_store %arg6[%swap3A_232, %swap3A_233], %swap3A_236 {strides = array<i32>} : memref<2x128xi32, #tpu.memory_space<vmem>>, vector<1x16xi32>,
        %mul3A_237 = arith.constant 128 : i32
        %mul3A_238 = arith.muli %add3A_176, %mul3A_237 : i32
        %add3A_239 = arith.constant 64 : i32
        %add3A_240 = arith.addi %mul3A_238, %add3A_239 : i32
        %get3A_241 = arith.index_cast %add3A_240 : i32 to index
        %get3A_242 = tpu.vector_load %arg5[%get3A_241] {strides = array<i32>} : memref<7168xi32, #tpu.memory_space<vmem>>, vector<16xi32>,
        %get3A_243 = vector.shape_cast %get3A_242 : vector<16xi32> to vector<16xi32>
        %add3A_244 = vector.broadcast %mul3A_18 : i32 to vector<16xi32>
        %add3A_245 = arith.addi %get3A_243, %add3A_244 : vector<16xi32>
        %swap3A_246 = arith.constant 1 : i32
        %swap3A_247 = arith.index_cast %swap3A_246 : i32 to index
        %swap3A_248 = arith.constant 64 : index
        %swap3A_249 = tpu.vector_load %arg6[%swap3A_247, %swap3A_248] {strides = array<i32>} : memref<2x128xi32, #tpu.memory_space<vmem>>, vector<1x16xi32>,
        %swap3A_250 = vector.shape_cast %swap3A_249 : vector<1x16xi32> to vector<16xi32>
        %swap3A_251 = vector.shape_cast %add3A_245 : vector<16xi32> to vector<1x16xi32>
        tpu.vector_store %arg6[%swap3A_247, %swap3A_248], %swap3A_251 {strides = array<i32>} : memref<2x128xi32, #tpu.memory_space<vmem>>, vector<1x16xi32>,
        %mul3A_252 = arith.constant 128 : i32
        %mul3A_253 = arith.muli %add3A_176, %mul3A_252 : i32
        %add3A_254 = arith.constant 80 : i32
        %add3A_255 = arith.addi %mul3A_253, %add3A_254 : i32
        %get3A_256 = arith.index_cast %add3A_255 : i32 to index
        %get3A_257 = tpu.vector_load %arg5[%get3A_256] {strides = array<i32>} : memref<7168xi32, #tpu.memory_space<vmem>>, vector<16xi32>,
        %get3A_258 = vector.shape_cast %get3A_257 : vector<16xi32> to vector<16xi32>
        %add3A_259 = vector.broadcast %mul3A_18 : i32 to vector<16xi32>
        %add3A_260 = arith.addi %get3A_258, %add3A_259 : vector<16xi32>
        %swap3A_261 = arith.constant 1 : i32
        %swap3A_262 = arith.index_cast %swap3A_261 : i32 to index
        %swap3A_263 = arith.constant 80 : index
        %swap3A_264 = tpu.vector_load %arg6[%swap3A_262, %swap3A_263] {strides = array<i32>} : memref<2x128xi32, #tpu.memory_space<vmem>>, vector<1x16xi32>,
        %swap3A_265 = vector.shape_cast %swap3A_264 : vector<1x16xi32> to vector<16xi32>
        %swap3A_266 = vector.shape_cast %add3A_260 : vector<16xi32> to vector<1x16xi32>
        tpu.vector_store %arg6[%swap3A_262, %swap3A_263], %swap3A_266 {strides = array<i32>} : memref<2x128xi32, #tpu.memory_space<vmem>>, vector<1x16xi32>,
        %mul3A_267 = arith.constant 128 : i32
        %mul3A_268 = arith.muli %add3A_176, %mul3A_267 : i32
        %add3A_269 = arith.constant 96 : i32
        %add3A_270 = arith.addi %mul3A_268, %add3A_269 : i32
        %get3A_271 = arith.index_cast %add3A_270 : i32 to index
        %get3A_272 = tpu.vector_load %arg5[%get3A_271] {strides = array<i32>} : memref<7168xi32, #tpu.memory_space<vmem>>, vector<16xi32>,
        %get3A_273 = vector.shape_cast %get3A_272 : vector<16xi32> to vector<16xi32>
        %add3A_274 = vector.broadcast %mul3A_18 : i32 to vector<16xi32>
        %add3A_275 = arith.addi %get3A_273, %add3A_274 : vector<16xi32>
        %swap3A_276 = arith.constant 1 : i32
        %swap3A_277 = arith.index_cast %swap3A_276 : i32 to index
        %swap3A_278 = arith.constant 96 : index
        %swap3A_279 = tpu.vector_load %arg6[%swap3A_277, %swap3A_278] {strides = array<i32>} : memref<2x128xi32, #tpu.memory_space<vmem>>, vector<1x16xi32>,
        %swap3A_280 = vector.shape_cast %swap3A_279 : vector<1x16xi32> to vector<16xi32>
        %swap3A_281 = vector.shape_cast %add3A_275 : vector<16xi32> to vector<1x16xi32>
        tpu.vector_store %arg6[%swap3A_277, %swap3A_278], %swap3A_281 {strides = array<i32>} : memref<2x128xi32, #tpu.memory_space<vmem>>, vector<1x16xi32>,
        %mul3A_282 = arith.constant 128 : i32
        %mul3A_283 = arith.muli %add3A_176, %mul3A_282 : i32
        %add3A_284 = arith.constant 112 : i32
        %add3A_285 = arith.addi %mul3A_283, %add3A_284 : i32
        %get3A_286 = arith.index_cast %add3A_285 : i32 to index
        %get3A_287 = tpu.vector_load %arg5[%get3A_286] {strides = array<i32>} : memref<7168xi32, #tpu.memory_space<vmem>>, vector<16xi32>,
        %get3A_288 = vector.shape_cast %get3A_287 : vector<16xi32> to vector<16xi32>
        %add3A_289 = vector.broadcast %mul3A_18 : i32 to vector<16xi32>
        %add3A_290 = arith.addi %get3A_288, %add3A_289 : vector<16xi32>
        %swap3A_291 = arith.constant 1 : i32
        %swap3A_292 = arith.index_cast %swap3A_291 : i32 to index
        %swap3A_293 = arith.constant 112 : index
        %swap3A_294 = tpu.vector_load %arg6[%swap3A_292, %swap3A_293] {strides = array<i32>} : memref<2x128xi32, #tpu.memory_space<vmem>>, vector<1x16xi32>,
        %swap3A_295 = vector.shape_cast %swap3A_294 : vector<1x16xi32> to vector<16xi32>
        %swap3A_296 = vector.shape_cast %add3A_290 : vector<16xi32> to vector<1x16xi32>
        tpu.vector_store %arg6[%swap3A_292, %swap3A_293], %swap3A_296 {strides = array<i32>} : memref<2x128xi32, #tpu.memory_space<vmem>>, vector<1x16xi32>,
        %dma_start3A_297 = arith.constant 1 : i32
        %dma_start3A_298 = arith.constant 1 : i32
        %dma_start3A_299 = arith.constant 0 : i32
        %dma_start3A_300 = tpu.memref_slice %arg7[%dma_start3A_298, %dma_start3A_299] : memref<2x128xi32, #tpu.memory_space<vmem>> -> memref<1x128xi32, #tpu.memory_space<vmem>>
        %dma_start3A_301 = tpu.memref_squeeze %dma_start3A_300 : memref<1x128xi32, #tpu.memory_space<vmem>> -> memref<128xi32, #tpu.memory_space<vmem>>
        %dma_start3A_302 = arith.constant 0 : i32
        %dma_start3A_303 = tpu.memref_slice %arg6[%dma_start3A_297, %dma_start3A_302] : memref<2x128xi32, #tpu.memory_space<vmem>> -> memref<1x128xi32, #tpu.memory_space<vmem>>
        %dma_start3A_304 = tpu.memref_squeeze %dma_start3A_303 : memref<1x128xi32, #tpu.memory_space<vmem>> -> memref<128xi32, #tpu.memory_space<vmem>>
        %dma_start3A_305 = arith.constant 0 : i32
        %dma_start3A_306 = tpu.memref_slice %arg3[%dma_start3A_305] : memref<400008xi32, #tpu.memory_space<hbm>> -> memref<400008xi32, #tpu.memory_space<hbm>>
        tpu.enqueue_indirect_dma source(%dma_start3A_306 : memref<400008xi32, #tpu.memory_space<hbm>>) target(%dma_start3A_301 : memref<128xi32, #tpu.memory_space<vmem>>) offsets(%dma_start3A_304 : memref<128xi32, #tpu.memory_space<vmem>>) semaphore(%arg9 : memref<!tpu.dma_semaphore, #tpu.memory_space<semaphore_mem>>)
      } else {
      }
      %dma_wait3A = arith.constant 0 : i32
      %dma_wait3A_136 = arith.constant 0 : i32
      %dma_wait3A_137 = tpu.memref_slice %arg7[%dma_wait3A, %dma_wait3A_136] : memref<2x128xi32, #tpu.memory_space<vmem>> -> memref<1x128xi32, #tpu.memory_space<vmem>>
      %dma_wait3A_138 = tpu.memref_squeeze %dma_wait3A_137 : memref<1x128xi32, #tpu.memory_space<vmem>> -> memref<128xi32, #tpu.memory_space<vmem>>
      %dma_wait3A_139 = arith.constant 0 : i32
      %dma_wait3A_140 = tpu.memref_slice %arg3[%dma_wait3A_139] : memref<400008xi32, #tpu.memory_space<hbm>> -> memref<128xi32, #tpu.memory_space<hbm>>
      %dma_wait3A_141 = arith.constant 0 : i32
      %dma_wait3A_142 = tpu.memref_slice %arg7[%dma_wait3A, %dma_wait3A_141] : memref<2x128xi32, #tpu.memory_space<vmem>> -> memref<1x128xi32, #tpu.memory_space<vmem>>
      %dma_wait3A_143 = tpu.memref_squeeze %dma_wait3A_142 : memref<1x128xi32, #tpu.memory_space<vmem>> -> memref<128xi32, #tpu.memory_space<vmem>>
      %dma_wait3A_144 = arith.constant 0 : i32
      %dma_wait3A_145 = tpu.memref_slice %arg3[%dma_wait3A_144] : memref<400008xi32, #tpu.memory_space<hbm>> -> memref<128xi32, #tpu.memory_space<hbm>>
      tpu.wait_dma2 semaphore(%arg8 : memref<!tpu.dma_semaphore, #tpu.memory_space<semaphore_mem>>) src(%dma_wait3A_145 : memref<128xi32, #tpu.memory_space<hbm>>) dst(%dma_wait3A_143 : memref<128xi32, #tpu.memory_space<vmem>>)
      %mul3A_146 = arith.constant 128 : i32
      %mul3A_147 = arith.muli %add3A_131, %mul3A_146 : i32
      %add3A_148 = arith.addi %add3A_26, %mul3A_147 : i32
      %run_scoped3A = arith.constant 0 : i32
      "tpu.region"() ({
        %run_scoped3A_175 = tpu.sem_alloc : memref<!tpu.dma_semaphore, #tpu.memory_space<semaphore_mem>>
        %dma_start3A_176 = arith.constant 0 : i32
        %dma_start3A_177 = tpu.memref_slice %arg7[%run_scoped3A, %dma_start3A_176] : memref<2x128xi32, #tpu.memory_space<vmem>> -> memref<1x128xi32, #tpu.memory_space<vmem>>
        %dma_start3A_178 = tpu.memref_squeeze %dma_start3A_177 : memref<1x128xi32, #tpu.memory_space<vmem>> -> memref<128xi32, #tpu.memory_space<vmem>>
        %dma_start3A_179 = tpu.memref_slice %arg4[%add3A_148] : memref<229376xi32, #tpu.memory_space<hbm>> -> memref<128xi32, #tpu.memory_space<hbm>>
        %dma_start3A_180 = tpu.memref_slice %arg4[%add3A_148] : memref<229376xi32, #tpu.memory_space<hbm>> -> memref<128xi32, #tpu.memory_space<hbm>>
        %dma_start3A_181 = arith.constant 0 : i32
        %dma_start3A_182 = tpu.memref_slice %arg7[%run_scoped3A, %dma_start3A_181] : memref<2x128xi32, #tpu.memory_space<vmem>> -> memref<1x128xi32, #tpu.memory_space<vmem>>
        %dma_start3A_183 = tpu.memref_squeeze %dma_start3A_182 : memref<1x128xi32, #tpu.memory_space<vmem>> -> memref<128xi32, #tpu.memory_space<vmem>>
        tpu.enqueue_dma source(%dma_start3A_183 : memref<128xi32, #tpu.memory_space<vmem>>) target(%dma_start3A_180 : memref<128xi32, #tpu.memory_space<hbm>>) target_semaphore(%run_scoped3A_175 : memref<!tpu.dma_semaphore, #tpu.memory_space<semaphore_mem>>)
        %dma_wait3A_184 = arith.constant 0 : i32
        %dma_wait3A_185 = tpu.memref_slice %arg7[%run_scoped3A, %dma_wait3A_184] : memref<2x128xi32, #tpu.memory_space<vmem>> -> memref<1x128xi32, #tpu.memory_space<vmem>>
        %dma_wait3A_186 = tpu.memref_squeeze %dma_wait3A_185 : memref<1x128xi32, #tpu.memory_space<vmem>> -> memref<128xi32, #tpu.memory_space<vmem>>
        %dma_wait3A_187 = tpu.memref_slice %arg4[%add3A_148] : memref<229376xi32, #tpu.memory_space<hbm>> -> memref<128xi32, #tpu.memory_space<hbm>>
        %dma_wait3A_188 = tpu.memref_slice %arg4[%add3A_148] : memref<229376xi32, #tpu.memory_space<hbm>> -> memref<128xi32, #tpu.memory_space<hbm>>
        %dma_wait3A_189 = arith.constant 0 : i32
        %dma_wait3A_190 = tpu.memref_slice %arg7[%run_scoped3A, %dma_wait3A_189] : memref<2x128xi32, #tpu.memory_space<vmem>> -> memref<1x128xi32, #tpu.memory_space<vmem>>
        %dma_wait3A_191 = tpu.memref_squeeze %dma_wait3A_190 : memref<1x128xi32, #tpu.memory_space<vmem>> -> memref<128xi32, #tpu.memory_space<vmem>>
        tpu.wait_dma2 semaphore(%run_scoped3A_175 : memref<!tpu.dma_semaphore, #tpu.memory_space<semaphore_mem>>) src(%dma_wait3A_191 : memref<128xi32, #tpu.memory_space<vmem>>) dst(%dma_wait3A_188 : memref<128xi32, #tpu.memory_space<hbm>>)
        tpu.yield
      }) : () -> ()
      %mul3A_149 = arith.constant 2 : i32
      %mul3A_150 = arith.muli %mul3A_149, %scan3A_127 : i32
      %add3A_151 = arith.constant 1 : i32
      %add3A_152 = arith.addi %mul3A_150, %add3A_151 : i32
      %add3A_153 = arith.constant 1 : i32
      %add3A_154 = arith.addi %add3A_152, %add3A_153 : i32
      %lt3A_155 = arith.constant 56 : i32
      %lt3A_156 = arith.cmpi slt, %add3A_154, %lt3A_155 : i32
      %convert_element_type3A_157 = arith.extui %lt3A_156 : i1 to i32
      %cond3A_158 = arith.constant 0 : i32
      %cond3A_159 = arith.cmpi ne, %convert_element_type3A_157, %cond3A_158 : i32
      scf.if %cond3A_159 {
        %add3A_175 = arith.constant 1 : i32
        %add3A_176 = arith.addi %add3A_152, %add3A_175 : i32
        %mul3A_177 = arith.constant 128 : i32
        %mul3A_178 = arith.muli %add3A_176, %mul3A_177 : i32
        %add3A_179 = arith.constant 0 : i32
        %add3A_180 = arith.addi %mul3A_178, %add3A_179 : i32
        %get3A_181 = arith.index_cast %add3A_180 : i32 to index
        %get3A_182 = tpu.vector_load %arg5[%get3A_181] {strides = array<i32>} : memref<7168xi32, #tpu.memory_space<vmem>>, vector<16xi32>,
        %get3A_183 = vector.shape_cast %get3A_182 : vector<16xi32> to vector<16xi32>
        %add3A_184 = vector.broadcast %mul3A_18 : i32 to vector<16xi32>
        %add3A_185 = arith.addi %get3A_183, %add3A_184 : vector<16xi32>
        %swap3A_186 = arith.constant 0 : i32
        %swap3A_187 = arith.index_cast %swap3A_186 : i32 to index
        %swap3A_188 = arith.constant 0 : index
        %swap3A_189 = tpu.vector_load %arg6[%swap3A_187, %swap3A_188] {strides = array<i32>} : memref<2x128xi32, #tpu.memory_space<vmem>>, vector<1x16xi32>,
        %swap3A_190 = vector.shape_cast %swap3A_189 : vector<1x16xi32> to vector<16xi32>
        %swap3A_191 = vector.shape_cast %add3A_185 : vector<16xi32> to vector<1x16xi32>
        tpu.vector_store %arg6[%swap3A_187, %swap3A_188], %swap3A_191 {strides = array<i32>} : memref<2x128xi32, #tpu.memory_space<vmem>>, vector<1x16xi32>,
        %mul3A_192 = arith.constant 128 : i32
        %mul3A_193 = arith.muli %add3A_176, %mul3A_192 : i32
        %add3A_194 = arith.constant 16 : i32
        %add3A_195 = arith.addi %mul3A_193, %add3A_194 : i32
        %get3A_196 = arith.index_cast %add3A_195 : i32 to index
        %get3A_197 = tpu.vector_load %arg5[%get3A_196] {strides = array<i32>} : memref<7168xi32, #tpu.memory_space<vmem>>, vector<16xi32>,
        %get3A_198 = vector.shape_cast %get3A_197 : vector<16xi32> to vector<16xi32>
        %add3A_199 = vector.broadcast %mul3A_18 : i32 to vector<16xi32>
        %add3A_200 = arith.addi %get3A_198, %add3A_199 : vector<16xi32>
        %swap3A_201 = arith.constant 0 : i32
        %swap3A_202 = arith.index_cast %swap3A_201 : i32 to index
        %swap3A_203 = arith.constant 16 : index
        %swap3A_204 = tpu.vector_load %arg6[%swap3A_202, %swap3A_203] {strides = array<i32>} : memref<2x128xi32, #tpu.memory_space<vmem>>, vector<1x16xi32>,
        %swap3A_205 = vector.shape_cast %swap3A_204 : vector<1x16xi32> to vector<16xi32>
        %swap3A_206 = vector.shape_cast %add3A_200 : vector<16xi32> to vector<1x16xi32>
        tpu.vector_store %arg6[%swap3A_202, %swap3A_203], %swap3A_206 {strides = array<i32>} : memref<2x128xi32, #tpu.memory_space<vmem>>, vector<1x16xi32>,
        %mul3A_207 = arith.constant 128 : i32
        %mul3A_208 = arith.muli %add3A_176, %mul3A_207 : i32
        %add3A_209 = arith.constant 32 : i32
        %add3A_210 = arith.addi %mul3A_208, %add3A_209 : i32
        %get3A_211 = arith.index_cast %add3A_210 : i32 to index
        %get3A_212 = tpu.vector_load %arg5[%get3A_211] {strides = array<i32>} : memref<7168xi32, #tpu.memory_space<vmem>>, vector<16xi32>,
        %get3A_213 = vector.shape_cast %get3A_212 : vector<16xi32> to vector<16xi32>
        %add3A_214 = vector.broadcast %mul3A_18 : i32 to vector<16xi32>
        %add3A_215 = arith.addi %get3A_213, %add3A_214 : vector<16xi32>
        %swap3A_216 = arith.constant 0 : i32
        %swap3A_217 = arith.index_cast %swap3A_216 : i32 to index
        %swap3A_218 = arith.constant 32 : index
        %swap3A_219 = tpu.vector_load %arg6[%swap3A_217, %swap3A_218] {strides = array<i32>} : memref<2x128xi32, #tpu.memory_space<vmem>>, vector<1x16xi32>,
        %swap3A_220 = vector.shape_cast %swap3A_219 : vector<1x16xi32> to vector<16xi32>
        %swap3A_221 = vector.shape_cast %add3A_215 : vector<16xi32> to vector<1x16xi32>
        tpu.vector_store %arg6[%swap3A_217, %swap3A_218], %swap3A_221 {strides = array<i32>} : memref<2x128xi32, #tpu.memory_space<vmem>>, vector<1x16xi32>,
        %mul3A_222 = arith.constant 128 : i32
        %mul3A_223 = arith.muli %add3A_176, %mul3A_222 : i32
        %add3A_224 = arith.constant 48 : i32
        %add3A_225 = arith.addi %mul3A_223, %add3A_224 : i32
        %get3A_226 = arith.index_cast %add3A_225 : i32 to index
        %get3A_227 = tpu.vector_load %arg5[%get3A_226] {strides = array<i32>} : memref<7168xi32, #tpu.memory_space<vmem>>, vector<16xi32>,
        %get3A_228 = vector.shape_cast %get3A_227 : vector<16xi32> to vector<16xi32>
        %add3A_229 = vector.broadcast %mul3A_18 : i32 to vector<16xi32>
        %add3A_230 = arith.addi %get3A_228, %add3A_229 : vector<16xi32>
        %swap3A_231 = arith.constant 0 : i32
        %swap3A_232 = arith.index_cast %swap3A_231 : i32 to index
        %swap3A_233 = arith.constant 48 : index
        %swap3A_234 = tpu.vector_load %arg6[%swap3A_232, %swap3A_233] {strides = array<i32>} : memref<2x128xi32, #tpu.memory_space<vmem>>, vector<1x16xi32>,
        %swap3A_235 = vector.shape_cast %swap3A_234 : vector<1x16xi32> to vector<16xi32>
        %swap3A_236 = vector.shape_cast %add3A_230 : vector<16xi32> to vector<1x16xi32>
        tpu.vector_store %arg6[%swap3A_232, %swap3A_233], %swap3A_236 {strides = array<i32>} : memref<2x128xi32, #tpu.memory_space<vmem>>, vector<1x16xi32>,
        %mul3A_237 = arith.constant 128 : i32
        %mul3A_238 = arith.muli %add3A_176, %mul3A_237 : i32
        %add3A_239 = arith.constant 64 : i32
        %add3A_240 = arith.addi %mul3A_238, %add3A_239 : i32
        %get3A_241 = arith.index_cast %add3A_240 : i32 to index
        %get3A_242 = tpu.vector_load %arg5[%get3A_241] {strides = array<i32>} : memref<7168xi32, #tpu.memory_space<vmem>>, vector<16xi32>,
        %get3A_243 = vector.shape_cast %get3A_242 : vector<16xi32> to vector<16xi32>
        %add3A_244 = vector.broadcast %mul3A_18 : i32 to vector<16xi32>
        %add3A_245 = arith.addi %get3A_243, %add3A_244 : vector<16xi32>
        %swap3A_246 = arith.constant 0 : i32
        %swap3A_247 = arith.index_cast %swap3A_246 : i32 to index
        %swap3A_248 = arith.constant 64 : index
        %swap3A_249 = tpu.vector_load %arg6[%swap3A_247, %swap3A_248] {strides = array<i32>} : memref<2x128xi32, #tpu.memory_space<vmem>>, vector<1x16xi32>,
        %swap3A_250 = vector.shape_cast %swap3A_249 : vector<1x16xi32> to vector<16xi32>
        %swap3A_251 = vector.shape_cast %add3A_245 : vector<16xi32> to vector<1x16xi32>
        tpu.vector_store %arg6[%swap3A_247, %swap3A_248], %swap3A_251 {strides = array<i32>} : memref<2x128xi32, #tpu.memory_space<vmem>>, vector<1x16xi32>,
        %mul3A_252 = arith.constant 128 : i32
        %mul3A_253 = arith.muli %add3A_176, %mul3A_252 : i32
        %add3A_254 = arith.constant 80 : i32
        %add3A_255 = arith.addi %mul3A_253, %add3A_254 : i32
        %get3A_256 = arith.index_cast %add3A_255 : i32 to index
        %get3A_257 = tpu.vector_load %arg5[%get3A_256] {strides = array<i32>} : memref<7168xi32, #tpu.memory_space<vmem>>, vector<16xi32>,
        %get3A_258 = vector.shape_cast %get3A_257 : vector<16xi32> to vector<16xi32>
        %add3A_259 = vector.broadcast %mul3A_18 : i32 to vector<16xi32>
        %add3A_260 = arith.addi %get3A_258, %add3A_259 : vector<16xi32>
        %swap3A_261 = arith.constant 0 : i32
        %swap3A_262 = arith.index_cast %swap3A_261 : i32 to index
        %swap3A_263 = arith.constant 80 : index
        %swap3A_264 = tpu.vector_load %arg6[%swap3A_262, %swap3A_263] {strides = array<i32>} : memref<2x128xi32, #tpu.memory_space<vmem>>, vector<1x16xi32>,
        %swap3A_265 = vector.shape_cast %swap3A_264 : vector<1x16xi32> to vector<16xi32>
        %swap3A_266 = vector.shape_cast %add3A_260 : vector<16xi32> to vector<1x16xi32>
        tpu.vector_store %arg6[%swap3A_262, %swap3A_263], %swap3A_266 {strides = array<i32>} : memref<2x128xi32, #tpu.memory_space<vmem>>, vector<1x16xi32>,
        %mul3A_267 = arith.constant 128 : i32
        %mul3A_268 = arith.muli %add3A_176, %mul3A_267 : i32
        %add3A_269 = arith.constant 96 : i32
        %add3A_270 = arith.addi %mul3A_268, %add3A_269 : i32
        %get3A_271 = arith.index_cast %add3A_270 : i32 to index
        %get3A_272 = tpu.vector_load %arg5[%get3A_271] {strides = array<i32>} : memref<7168xi32, #tpu.memory_space<vmem>>, vector<16xi32>,
        %get3A_273 = vector.shape_cast %get3A_272 : vector<16xi32> to vector<16xi32>
        %add3A_274 = vector.broadcast %mul3A_18 : i32 to vector<16xi32>
        %add3A_275 = arith.addi %get3A_273, %add3A_274 : vector<16xi32>
        %swap3A_276 = arith.constant 0 : i32
        %swap3A_277 = arith.index_cast %swap3A_276 : i32 to index
        %swap3A_278 = arith.constant 96 : index
        %swap3A_279 = tpu.vector_load %arg6[%swap3A_277, %swap3A_278] {strides = array<i32>} : memref<2x128xi32, #tpu.memory_space<vmem>>, vector<1x16xi32>,
        %swap3A_280 = vector.shape_cast %swap3A_279 : vector<1x16xi32> to vector<16xi32>
        %swap3A_281 = vector.shape_cast %add3A_275 : vector<16xi32> to vector<1x16xi32>
        tpu.vector_store %arg6[%swap3A_277, %swap3A_278], %swap3A_281 {strides = array<i32>} : memref<2x128xi32, #tpu.memory_space<vmem>>, vector<1x16xi32>,
        %mul3A_282 = arith.constant 128 : i32
        %mul3A_283 = arith.muli %add3A_176, %mul3A_282 : i32
        %add3A_284 = arith.constant 112 : i32
        %add3A_285 = arith.addi %mul3A_283, %add3A_284 : i32
        %get3A_286 = arith.index_cast %add3A_285 : i32 to index
        %get3A_287 = tpu.vector_load %arg5[%get3A_286] {strides = array<i32>} : memref<7168xi32, #tpu.memory_space<vmem>>, vector<16xi32>,
        %get3A_288 = vector.shape_cast %get3A_287 : vector<16xi32> to vector<16xi32>
        %add3A_289 = vector.broadcast %mul3A_18 : i32 to vector<16xi32>
        %add3A_290 = arith.addi %get3A_288, %add3A_289 : vector<16xi32>
        %swap3A_291 = arith.constant 0 : i32
        %swap3A_292 = arith.index_cast %swap3A_291 : i32 to index
        %swap3A_293 = arith.constant 112 : index
        %swap3A_294 = tpu.vector_load %arg6[%swap3A_292, %swap3A_293] {strides = array<i32>} : memref<2x128xi32, #tpu.memory_space<vmem>>, vector<1x16xi32>,
        %swap3A_295 = vector.shape_cast %swap3A_294 : vector<1x16xi32> to vector<16xi32>
        %swap3A_296 = vector.shape_cast %add3A_290 : vector<16xi32> to vector<1x16xi32>
        tpu.vector_store %arg6[%swap3A_292, %swap3A_293], %swap3A_296 {strides = array<i32>} : memref<2x128xi32, #tpu.memory_space<vmem>>, vector<1x16xi32>,
        %dma_start3A_297 = arith.constant 0 : i32
        %dma_start3A_298 = arith.constant 0 : i32
        %dma_start3A_299 = arith.constant 0 : i32
        %dma_start3A_300 = tpu.memref_slice %arg7[%dma_start3A_298, %dma_start3A_299] : memref<2x128xi32, #tpu.memory_space<vmem>> -> memref<1x128xi32, #tpu.memory_space<vmem>>
        %dma_start3A_301 = tpu.memref_squeeze %dma_start3A_300 : memref<1x128xi32, #tpu.memory_space<vmem>> -> memref<128xi32, #tpu.memory_space<vmem>>
        %dma_start3A_302 = arith.constant 0 : i32
        %dma_start3A_303 = tpu.memref_slice %arg6[%dma_start3A_297, %dma_start3A_302] : memref<2x128xi32, #tpu.memory_space<vmem>> -> memref<1x128xi32, #tpu.memory_space<vmem>>
        %dma_start3A_304 = tpu.memref_squeeze %dma_start3A_303 : memref<1x128xi32, #tpu.memory_space<vmem>> -> memref<128xi32, #tpu.memory_space<vmem>>
        %dma_start3A_305 = arith.constant 0 : i32
        %dma_start3A_306 = tpu.memref_slice %arg3[%dma_start3A_305] : memref<400008xi32, #tpu.memory_space<hbm>> -> memref<400008xi32, #tpu.memory_space<hbm>>
        tpu.enqueue_indirect_dma source(%dma_start3A_306 : memref<400008xi32, #tpu.memory_space<hbm>>) target(%dma_start3A_301 : memref<128xi32, #tpu.memory_space<vmem>>) offsets(%dma_start3A_304 : memref<128xi32, #tpu.memory_space<vmem>>) semaphore(%arg8 : memref<!tpu.dma_semaphore, #tpu.memory_space<semaphore_mem>>)
      } else {
      }
      %dma_wait3A_160 = arith.constant 1 : i32
      %dma_wait3A_161 = arith.constant 0 : i32
      %dma_wait3A_162 = tpu.memref_slice %arg7[%dma_wait3A_160, %dma_wait3A_161] : memref<2x128xi32, #tpu.memory_space<vmem>> -> memref<1x128xi32, #tpu.memory_space<vmem>>
      %dma_wait3A_163 = tpu.memref_squeeze %dma_wait3A_162 : memref<1x128xi32, #tpu.memory_space<vmem>> -> memref<128xi32, #tpu.memory_space<vmem>>
      %dma_wait3A_164 = arith.constant 0 : i32
      %dma_wait3A_165 = tpu.memref_slice %arg3[%dma_wait3A_164] : memref<400008xi32, #tpu.memory_space<hbm>> -> memref<128xi32, #tpu.memory_space<hbm>>
      %dma_wait3A_166 = arith.constant 0 : i32
      %dma_wait3A_167 = tpu.memref_slice %arg7[%dma_wait3A_160, %dma_wait3A_166] : memref<2x128xi32, #tpu.memory_space<vmem>> -> memref<1x128xi32, #tpu.memory_space<vmem>>
      %dma_wait3A_168 = tpu.memref_squeeze %dma_wait3A_167 : memref<1x128xi32, #tpu.memory_space<vmem>> -> memref<128xi32, #tpu.memory_space<vmem>>
      %dma_wait3A_169 = arith.constant 0 : i32
      %dma_wait3A_170 = tpu.memref_slice %arg3[%dma_wait3A_169] : memref<400008xi32, #tpu.memory_space<hbm>> -> memref<128xi32, #tpu.memory_space<hbm>>
      tpu.wait_dma2 semaphore(%arg9 : memref<!tpu.dma_semaphore, #tpu.memory_space<semaphore_mem>>) src(%dma_wait3A_170 : memref<128xi32, #tpu.memory_space<hbm>>) dst(%dma_wait3A_168 : memref<128xi32, #tpu.memory_space<vmem>>)
      %mul3A_171 = arith.constant 128 : i32
      %mul3A_172 = arith.muli %add3A_152, %mul3A_171 : i32
      %add3A_173 = arith.addi %add3A_26, %mul3A_172 : i32
      %run_scoped3A_174 = arith.constant 1 : i32
      "tpu.region"() ({
        %run_scoped3A_175 = tpu.sem_alloc : memref<!tpu.dma_semaphore, #tpu.memory_space<semaphore_mem>>
        %dma_start3A_176 = arith.constant 0 : i32
        %dma_start3A_177 = tpu.memref_slice %arg7[%run_scoped3A_174, %dma_start3A_176] : memref<2x128xi32, #tpu.memory_space<vmem>> -> memref<1x128xi32, #tpu.memory_space<vmem>>
        %dma_start3A_178 = tpu.memref_squeeze %dma_start3A_177 : memref<1x128xi32, #tpu.memory_space<vmem>> -> memref<128xi32, #tpu.memory_space<vmem>>
        %dma_start3A_179 = tpu.memref_slice %arg4[%add3A_173] : memref<229376xi32, #tpu.memory_space<hbm>> -> memref<128xi32, #tpu.memory_space<hbm>>
        %dma_start3A_180 = tpu.memref_slice %arg4[%add3A_173] : memref<229376xi32, #tpu.memory_space<hbm>> -> memref<128xi32, #tpu.memory_space<hbm>>
        %dma_start3A_181 = arith.constant 0 : i32
        %dma_start3A_182 = tpu.memref_slice %arg7[%run_scoped3A_174, %dma_start3A_181] : memref<2x128xi32, #tpu.memory_space<vmem>> -> memref<1x128xi32, #tpu.memory_space<vmem>>
        %dma_start3A_183 = tpu.memref_squeeze %dma_start3A_182 : memref<1x128xi32, #tpu.memory_space<vmem>> -> memref<128xi32, #tpu.memory_space<vmem>>
        tpu.enqueue_dma source(%dma_start3A_183 : memref<128xi32, #tpu.memory_space<vmem>>) target(%dma_start3A_180 : memref<128xi32, #tpu.memory_space<hbm>>) target_semaphore(%run_scoped3A_175 : memref<!tpu.dma_semaphore, #tpu.memory_space<semaphore_mem>>)
        %dma_wait3A_184 = arith.constant 0 : i32
        %dma_wait3A_185 = tpu.memref_slice %arg7[%run_scoped3A_174, %dma_wait3A_184] : memref<2x128xi32, #tpu.memory_space<vmem>> -> memref<1x128xi32, #tpu.memory_space<vmem>>
        %dma_wait3A_186 = tpu.memref_squeeze %dma_wait3A_185 : memref<1x128xi32, #tpu.memory_space<vmem>> -> memref<128xi32, #tpu.memory_space<vmem>>
        %dma_wait3A_187 = tpu.memref_slice %arg4[%add3A_173] : memref<229376xi32, #tpu.memory_space<hbm>> -> memref<128xi32, #tpu.memory_space<hbm>>
        %dma_wait3A_188 = tpu.memref_slice %arg4[%add3A_173] : memref<229376xi32, #tpu.memory_space<hbm>> -> memref<128xi32, #tpu.memory_space<hbm>>
        %dma_wait3A_189 = arith.constant 0 : i32
        %dma_wait3A_190 = tpu.memref_slice %arg7[%run_scoped3A_174, %dma_wait3A_189] : memref<2x128xi32, #tpu.memory_space<vmem>> -> memref<1x128xi32, #tpu.memory_space<vmem>>
        %dma_wait3A_191 = tpu.memref_squeeze %dma_wait3A_190 : memref<1x128xi32, #tpu.memory_space<vmem>> -> memref<128xi32, #tpu.memory_space<vmem>>
        tpu.wait_dma2 semaphore(%run_scoped3A_175 : memref<!tpu.dma_semaphore, #tpu.memory_space<semaphore_mem>>) src(%dma_wait3A_191 : memref<128xi32, #tpu.memory_space<vmem>>) dst(%dma_wait3A_188 : memref<128xi32, #tpu.memory_space<hbm>>)
        tpu.yield
      }) : () -> ()
    }
    %scan3A_126 = arith.constant 28 : i32
    return
  }
}

</mosaic_0001>

<sc_bundles>
// kernel: kernel.4.cloned.1.call-start
scs
__scs_entry_jumppad:
0x0: {  	(pc) =	sbr.rel $0x88, $3  }
0x1: {  	(tag) =	ssettag $0x0;
	lr =	simm.s32 $0x1  }
0x2: {  	[smem:$0x3F9E] =	sst lr;
	_ =	strace $0xD0000000  }
0x3: {  	_ = 	snop  }
0x4: {  	_ = 	snop  }
0x5: {  	_ = 	snop  }
0x6: {  	_ = 	snop  }
0x7: {  	_ = 	snop  }
__scs_overlays_trampoline_lowered:
0x8: {  	[smem:$0x3FAD] =	sst s0  }
0x9: {  	[smem:$0x3FAE] =	sst s1  }
0xa: {  	[smem:$0x3FAF] =	sst s2  }
0xb: {  	[smem:$0x3FB0] =	sst s3  }
0xc: {  	[smem:$0x3FB1] =	sst s4  }
0xd: {  	[smem:$0x3FB2] =	sst s5  }
0xe: {  	[smem:$0x3FB3] =	sst s6  }
0xf: {  	[smem:$0x3FB4] =	sst s7  }
0x10: {  	[smem:$0x3FB5] =	sst s8  }
0x11: {  	[smem:$0x3FB6] =	sst s9;
	s0 =	simm.s32 @!p0 $0x0  }
0x12: {  	s1 =	sld [smem:$0x3F9C];
	s0 =	simm.s32 @p0 $0x1  }
0x13: {  	[smem:$0x3FB7] =	sst s0;
	s0 =	simm.s32 @!p1 $0x0  }
0x14: {  	s2 =	sld [smem:$0x3F9B];
	s0 =	simm.s32 @p1 $0x1  }
0x15: {  	[smem:$0x3FB8] =	sst s0;
	s0 =	simm.s32 @!p2 $0x0  }
0x16: {  	s3 =	sld [smem:$0x3FDB];
	s0 =	simm.s32 @p2 $0x1  }
0x17: {  	s4 =	simm.s32 $0x1BF5;
	[smem:$0x3FBA] =	sst s0  }
0x18: {  	s0 =	sld [smem:$0x3F9D];
	_ =	swait.ge [sflag:s4], $0x0  }
0x19: {  	s7 =	sld [smem:$0x3F9E]  }
0x1a: {  	s8 =	sadd.s32 $0xFFFFE003, lr  }
0x1b: {  	s9 =	sadd.s32 $0xFFFFFEF7, lr;
	s5 =	simm.s32 $0xFFFFFFFF;
	p2 =	slt.u32 s8, $0xFFFFF086  }
0x1c: {  	p1 =	slt.u32 s9, $0xF7A;
	s5 =	simm.s32 @!p2 $0x0  }
0x1d: {  	s5 =	simm.s32 @p1 $0x1;
	p0 =	seq.s32 s7, s2  }
0x1e: {  	s7 =	smul.u32 @!p0 $0xF7A, s2;
	p2 =	seq.s32 @!p0 s5, $0x0  }
0x1f: {  	s9 =	smul.u32 $0xF7A, s1;
	s8 =	simm.s32 @!p0 $0x1BF5;
	p2 =	por !p2, p0  }
0x20: {  	[sflag:s8] =	ssyncset.s32 @!p0 $0xFFFFF086;
	s6 =	sadd.s32 @!p0 s3, s7;
	s7 =	simm.s32 @!p0 $0x108  }
0x21: {  	s3 =	sadd.s32 s3, s9;
	s6 =	sadd.s32 @!p0 $0x88, s6;
	s7 =	simm.s32 @p2 $0x1082  }
0x22: {  	[simem:s7], [sflag:s8] =	dma.local @!p0 [hbm:s6], $0xF7A  }
0x23: {  	s9 =	sor.u32 $0xD0000000, s2;
	s6 =	simm.s32 $0x108;
	_ =	swait.ge @!p0 [sflag:s8], $0x0  }
0x24: {  	s3 =	sadd.s32 $0x88, s3;
	s6 =	simm.s32 @!p1 $0x1082;
	[sflag:s4] =	ssyncset.s32 $0xFFFFF086  }
0x25: {  	[simem:s6], [sflag:s4] =	dma.local [hbm:s3], $0xF7A  }
0x26: {  	[smem:$0x3F9E] =	sst s1;
	(tag) =	ssettag s2;
	_ =	strace s9  }
0x27: {  	s1 =	sld [smem:$0x3FAE]  }
0x28: {  	s2 =	sld [smem:$0x3FAF]  }
0x29: {  	s4 =	sld [smem:$0x3FB1]  }
0x2a: {  	p0 =	seq.s32 s5, $0x0;
	s5 =	sld [smem:$0x3FB2]  }
0x2b: {  	s6 =	sld [smem:$0x3FB3]  }
0x2c: {  	s7 =	sld [smem:$0x3FB4]  }
0x2d: {  	s3 =	simm.s32 $0x108;
	s8 =	sld [smem:$0x3FB5]  }
0x2e: {  	s3 =	simm.s32 @!p0 $0x1082;
	s9 =	sld [smem:$0x3FB6]  }
0x2f: {  	lr =	sadd.s32 s0, s3;
	s0 =	sld [smem:$0x3FAD]  }
0x30: {  	s3 =	sld [smem:$0x3FB0]  }
0x31: {  	[smem:$0x3FB9] =	sst s10  }
0x32: {  	s10 =	sld [smem:$0x3FB7];
	_ =	sdelay $0x3  }
0x33: {  	p0 =	seq.s32 s10, $0x1;
	s10 =	sld [smem:$0x3FB9];
	_ =	sdelay $0x3  }
0x34: {  	[smem:$0x3FB9] =	sst s10  }
0x35: {  	s10 =	sld [smem:$0x3FB8];
	_ =	sdelay $0x3  }
0x36: {  	p1 =	seq.s32 s10, $0x1;
	s10 =	sld [smem:$0x3FB9];
	_ =	sdelay $0x3  }
0x37: {  	[smem:$0x3FB9] =	sst s10  }
0x38: {  	s10 =	sld [smem:$0x3FBA]  }
0x39: {  	_ = 	snop;
	(pc) =	sbr.ind lr, $3  }
0x3a: {  	_ = 	snop  }
0x3b: {  	_ = 	snop  }
0x3c: {  	p2 =	seq.s32 s10, $0x1;
	s10 =	sld [smem:$0x3FB9]  }
0x3d: {  	_ =	shalt  }
0x3e: {  	_ =	shalt  }
0x3f: {  	_ =	shalt  }
0x40: {  	_ =	shalt  }
0x41: {  	_ =	shalt  }
0x42: {  	_ =	shalt  }
0x43: {  	_ =	shalt  }
0x44: {  	_ =	shalt  }
0x45: {  	_ =	shalt  }
0x46: {  	_ =	shalt  }
0x47: {  	_ =	shalt  }
0x48: {  	_ =	shalt  }
0x49: {  	_ =	shalt  }
0x4a: {  	_ =	shalt  }
0x4b: {  	_ =	shalt  }
0x4c: {  	_ =	shalt  }
0x4d: {  	_ =	shalt  }
0x4e: {  	_ =	shalt  }
0x4f: {  	_ =	shalt  }
0x50: {  	_ =	shalt  }
0x51: {  	_ =	shalt  }
0x52: {  	_ =	shalt  }
0x53: {  	_ =	shalt  }
0x54: {  	_ =	shalt  }
0x55: {  	_ =	shalt  }
0x56: {  	_ =	shalt  }
0x57: {  	_ =	shalt  }
0x58: {  	_ =	shalt  }
0x59: {  	_ =	shalt  }
0x5a: {  	_ =	shalt  }
0x5b: {  	_ =	shalt  }
0x5c: {  	_ =	shalt  }
0x5d: {  	_ =	shalt  }
0x5e: {  	_ =	shalt  }
0x5f: {  	_ =	shalt  }
0x60: {  	_ =	shalt  }
0x61: {  	_ =	shalt  }
0x62: {  	_ =	shalt  }
0x63: {  	_ =	shalt  }
0x64: {  	_ =	shalt  }
0x65: {  	_ =	shalt  }
0x66: {  	_ =	shalt  }
0x67: {  	_ =	shalt  }
0x68: {  	_ =	shalt  }
0x69: {  	_ =	shalt  }
0x6a: {  	_ =	shalt  }
0x6b: {  	_ =	shalt  }
0x6c: {  	_ =	shalt  }
0x6d: {  	_ =	shalt  }
0x6e: {  	_ =	shalt  }
0x6f: {  	_ =	shalt  }
0x70: {  	_ =	shalt  }
0x71: {  	_ =	shalt  }
0x72: {  	_ =	shalt  }
0x73: {  	_ =	shalt  }
0x74: {  	_ =	shalt  }
0x75: {  	_ =	shalt  }
0x76: {  	_ =	shalt  }
0x77: {  	_ =	shalt  }
0x78: {  	_ =	shalt  }
0x79: {  	_ =	shalt  }
0x7a: {  	_ =	shalt  }
0x7b: {  	_ =	shalt  }
0x7c: {  	_ =	shalt  }
0x7d: {  	_ =	shalt  }
0x7e: {  	_ =	shalt  }
0x7f: {  	_ =	shalt  }
0x80: {  	_ =	shalt  }
0x81: {  	_ =	shalt  }
0x82: {  	_ =	shalt  }
0x83: {  	_ =	shalt  }
0x84: {  	_ =	shalt  }
0x85: {  	_ =	shalt  }
0x86: {  	_ =	shalt  }
0x87: {  	_ =	shalt  }
.Lfunc_end0:
.L_simem_size_0:
called_computation.1_lowered:
.L_overlay_start_0:
0x88: {  	s2 =	sld [smem:$0x3FD9]  }
0x89: {  	s3 =	sld [smem:$0x3FFE];
	_ =	sdelay $0x1  }
0x8a: {  	s1 =	srdreg.scid  }
0x8b: {  	s0 =	sand.u32 $0x1, s1  }
0x8c: {  	s14 =	sshll.u32 s0, $0xA;
	s2 =	sadd.s32 s3, s2  }
0x8d: {  	s2 =	sadd.s32 s2, s14  }
0x8e: {  	[smem:$0x3FC5] =	sst s2  }
0x8f: {  	_ = 	snop  }
0x90: {  	s2 =	sld [smem:$0x3FD0];
	_ =	sdelay $0x2  }
0x91: {  	s15 =	simm.s32 $0xA;
	s4 =	simm.s32 $0x10  }
0x92: {  	[smem:s4], [sflag:s15] =	dma.local [hbm:s2], $0x1  }
0x93: {  	_ =	swait.eq [sflag:s15], $0x1  }
0x94: {  	[sflag:s15] =	ssyncset.done $0x0  }
0x95: {  	s16 =	sld [smem:$0x10];
	[sflag:s15] =	ssyncadd.s32 $0xFFFFFFFF  }
0x96: {  	s17 =	sld [smem:$0x11];
	(tm) =	ssettm $0x1  }
0x97: {  	s18 =	sld [smem:$0x3FFB];
	_ =	sdelay $0x3  }
0x98: {  	_ =	strace s18  }
0x99: {  	s4 =	sld [smem:$0x3FFC];
	_ =	sdelay $0x3  }
0x9a: {  	_ =	strace s4  }
0x9b: {  	s4 =	sld [smem:$0x3FFD];
	_ =	sdelay $0x3  }
0x9c: {  	_ =	strace s4  }
0x9d: {  	_ =	strace $0x8FFFFFFF  }
0x9e: {  	s19 =	sld [smem:$0x3FDB];
	_ =	sdelay $0x1  }
0x9f: {  	s5 =	simm.s32 $_scs_section_size  }
0xa0: {  	s6 =	simm.s32 $_size__tile_overlayer_lowered;
	s7 =	simm.s32 $_tile_overlayer_lowered  }
0xa1: {  	s22 =	simm.s32 $0x1BFF;
	s21 =	sshll.u32 s7, $0x1;
	s4 =	sadd.s32 s5, s19  }
0xa2: {  	s8 =	simm.s32 $0x0;
	s20 =	sshll.u32 s6, $0x1;
	s6 =	sadd.s32 s21, s4  }
0xa3: {  	[timem:s8], [sflag:s22] =	dma.local [hbm:s6], s20  }
0xa4: {  	_ =	swait.ge [sflag:s22], s20  }
0xa5: {  	s5 =	ssub.s32 $0x0, s20;
	[sflag:s22] =	ssyncset.done $0x0  }
0xa6: {  	[sflag:s22] =	ssyncadd.s32 s5;
	_ =	sdelay $0x1  }
0xa7: {  	s23 =	simm.s32 $0x1B8B  }
0xa8: {  	_ =	swait.ge [sflag:s23], $0x1  }
0xa9: {  	[sflag:s23] =	ssyncset.done $0x0  }
0xaa: {  	s25 =	simm.s32 $0x1B8E;
	s24 =	sld [smem:$0x3FFE];
	[sflag:s23] =	ssyncadd.s32 $0xFFFFFFFF  }
0xab: {  	s26 =	simm.s32 $execute0_lowered;
	[smem:$0x3FD2] =	sst s25  }
0xac: {  	s6 =	sshll.u32 s26, $0x1;
	_ =	strace $0x80000046;
	[dreg:$0x1] =	wrdreg $0xFFFFFFFF  }
0xad: {  	s28 =	simm.s32 $_size_execute0_lowered;
	s4 =	sadd.s32 s4, s6;
	[dreg:$0x0] =	wrdreg $0x0  }
0xae: {  	s6 =	sshll.u32 s28, $0x1;
	[dreg:$0x2] =	wrdreg s4  }
0xaf: {  	[dreg:$0x3] =	wrdreg s6  }
0xb0: {  	[dreg:$0x4] =	wrdreg $0xC0  }
0xb1: {  	_ =	task [dreg:s8], $0x5FFFF  }
0xb2: {  	[dreg:$0x1] =	wrdreg $0xFFFFFFFF  }
0xb3: {  	[dreg:$0x0] =	wrdreg $0x60  }
0xb4: {  	[dreg:$0x2] =	wrdreg s17  }
0xb5: {  	[dreg:$0x3] =	wrdreg s16  }
0xb6: {  	[dreg:$0x4] =	wrdreg s24  }
0xb7: {  	[dreg:$0x5] =	wrdreg $0x9  }
0xb8: {  	_ =	task.clear_ibuf [dreg:s8], $0x6FFFF;
	_ =	strace $0x90000046  }
0xb9: {  	s29 =	simm.s32 $0x9;
	_ =	strace $0x80000048  }
0xba: {  	_ =	swait.ge [sflag:s29], $0x1  }
0xbb: {  	[sflag:s29] =	ssyncadd.s32 $0xFFFFFFFF  }
0xbc: {  	_ =	strace $0x90000048  }
0xbd: {  	_ =	sfence  }
0xbe: {  	s30 =	sld [smem:$0x0];
	_ =	sdelay $0x2  }
0xbf: {  	s31 =	sshll.u32 s1, $0xD;
	s1 =	sshrl.u32 s1, $0x2  }
0xc0: {  	s3 =	sand.u32 $0x4000, s31;
	s1 =	sadd.s32 s1, s30  }
0xc1: {  	s0 =	sor.u32 s3, s0;
	s1 =	sshll.u32 s1, $0x11  }
0xc2: {  	s0 =	sor.u32 s1, s0  }
0xc3: {  	s0 =	sadd.s32 $0x8F2B, s0  }
0xc4: {  	[sflag:s0] =	ssyncadd.remote.s32 $0x1  }
0xc5: {  	_ =	sfence.sel $0xFFFF  }
0xc6: {  	[dreg:$0x0] =	wrdreg $0xFFFFFFFF;
	(pc) =	sbr.abs _section_cstart, $3  }
0xc7: {  	[dreg:$0x1] =	wrdreg $0xFFFFFFFF  }
0xc8: {  	_ =	task.clear_ibuf [dreg:s8], $0x2FFFF;
	_ =	strace $0x9FFFFFFF  }
0xc9: {  	(tm) =	ssettm $0x7FFFFFFF  }
tec
execute0_lowered:
.L_overlay_start_1:
0x0: {  	(tag) =	ssettag $0x1  }
0x1: {  	s4 =	rddreg [dreg:$0x0]  }
0x2: {  	s1 =	rddreg [dreg:$0x1]  }
0x3: {  	s5 =	rddreg [dreg:$0x2]  }
0x4: {  	s0 =	rddreg [dreg:$0x3];
	s3 =	simm.s32 $0x0  }
0x5: {  	s6 =	srdreg.scid;
	s2 =	stileid.u32;
	s13 =	simm.s32 $0x1D80  }
0x6: {  	s15 =	simm.s32 $0x2;
	s16 =	simm.s32 $0x0;
	[smem:$0x7FF] =	sst s3  }
0x7: {  	s6 =	sand.u32 $0x1, s6;
	s7 =	sshll.u32 s2, $0x1;
	s8 =	sshrl.u32 s2, $0x2  }
0x8: {  	s10 =	smul.u32 $0x3800, s2;
	s12 =	sadd.s32 $0xE00, s5;
	s7 =	sor.u32 s6, s7  }
0x9: {  	s9 =	sshll.u32 s8, $0x3;
	s11 =	ssub.s32 $0x2, s6;
	s6 =	smul.u32 $0x1C00, s6  }
0xa: {  	_ =	strace $0x80000047;
	s14 =	smul.u32 $0x186A2, s8;
	s8 =	simm.s32 $0x3  }
0xb: {  	s7 =	ssub.s32 s7, s9;
	s26 =	sshrl.u32 s11, $0x1;
	s9 =	simm.s32 $0x80  }
0xc: {  	s7 =	smul.u32 $0x1C00, s7;
	s28 =	ssub.s32 s11, s26;
	s6 =	sadd.s32 s6, s10  }
0xd: {  	s10 =	simm.s32 $0x1C00;
	s11 =	simm.s32 $0x1D00;
	v0 =	vmov s14;
	s14 =	simm.s32 $0x1  }
0xe: {  	s29 =	sor.u32 $0x80, s6;
	s31 =	sshrl.u32 s6, $0x3;
	s7 =	sshrl.u32 s7, $0x3  }
0xf: {  	s5 =	smax.u32 s28, $0x1;
	s30 =	sshrl.u32 s29, $0x3;
	s4 =	sadd.s32 s4, s7  }
0x10: {  	s6 =	sadd.s32 s30, s12;
	s7 =	sadd.s32 s31, s12;
	s12 =	simm.s32 $0x1C80  }
.LBB2_1:
0x11: {  	[tilespmem:s3], [sflag:$0x3] =	stream.linear.gather [hbm4b:s4+s3], $0x1C00, $0x38;
	[tilespmem:$0x1E00] =	vst v63  }
0x12: {  	_ =	swait.ge [sflag:s8], $0x1C00  }
0x13: {  	[sflag:s8] =	ssyncset.done $0x0  }
0x14: {  	[sflag:s8] =	ssyncadd.s32 $0xFFFFE400  }
0x15: {  	v1 =	vld [tilespmem:$0x0]  }
0x16: {  	v2 =	vld [tilespmem:$0x10]  }
0x17: {  	v3 =	vld [tilespmem:$0x20]  }
0x18: {  	v4 =	vld [tilespmem:$0x30]  }
0x19: {  	v5 =	vld [tilespmem:$0x40]  }
0x1a: {  	v6 =	vld [tilespmem:$0x50];
	v1 =	vadd.s32 v0, v1  }
0x1b: {  	[tilespmem:$0x1C00] =	vst v1;
	v1 =	vadd.s32 v0, v2;
	v2 =	vld [tilespmem:$0x60]  }
0x1c: {  	[tilespmem:$0x1C10] =	vst v1;
	v1 =	vadd.s32 v0, v3;
	v3 =	vld [tilespmem:$0x70]  }
0x1d: {  	[tilespmem:$0x1C20] =	vst v1;
	v1 =	vadd.s32 v0, v4  }
0x1e: {  	[tilespmem:$0x1C30] =	vst v1;
	v1 =	vadd.s32 v0, v5  }
0x1f: {  	[tilespmem:$0x1C40] =	vst v1;
	v1 =	vadd.s32 v0, v6  }
0x20: {  	[tilespmem:$0x1C50] =	vst v1;
	v1 =	vadd.s32 v0, v2  }
0x21: {  	[tilespmem:$0x1C60] =	vst v1;
	v1 =	vadd.s32 v0, v3  }
0x22: {  	s17 =	simm.s32 $0xC0;
	[tilespmem:$0x1C70] =	vst v1  }
0x23: {  	[tilespmem:s11], [sflag:$0x1] =	stream.indirect.gather [hbm4b:s1+s9], $0x1, s10, s9, $0xb8;
	[tilespmem:$0x1E00] =	vst v63  }
0x24: {  	v1 =	vld [tilespmem:s17+$0xFFFFFFC0];
	_ =	sdelay $0x4  }
0x25: {  	v1 =	vadd.s32 v0, v1  }
0x26: {  	[tilespmem:$0x1C80] =	vst v1  }
0x27: {  	v1 =	vld [tilespmem:s17+$0xFFFFFFD0];
	_ =	sdelay $0x4  }
0x28: {  	v1 =	vadd.s32 v0, v1  }
0x29: {  	[tilespmem:$0x1C90] =	vst v1  }
0x2a: {  	v1 =	vld [tilespmem:s17+$0xFFFFFFE0];
	_ =	sdelay $0x4  }
0x2b: {  	v1 =	vadd.s32 v0, v1  }
0x2c: {  	[tilespmem:$0x1CA0] =	vst v1  }
0x2d: {  	v1 =	vld [tilespmem:s17+$0xFFFFFFF0];
	_ =	sdelay $0x4  }
0x2e: {  	v1 =	vadd.s32 v0, v1  }
0x2f: {  	[tilespmem:$0x1CB0] =	vst v1  }
0x30: {  	v1 =	vld [tilespmem:s17+$0x0];
	_ =	sdelay $0x4  }
0x31: {  	v1 =	vadd.s32 v0, v1  }
0x32: {  	[tilespmem:$0x1CC0] =	vst v1  }
0x33: {  	v1 =	vld [tilespmem:s17+$0x10];
	_ =	sdelay $0x4  }
0x34: {  	v1 =	vadd.s32 v0, v1  }
0x35: {  	[tilespmem:$0x1CD0] =	vst v1  }
0x36: {  	v1 =	vld [tilespmem:s17+$0x20];
	_ =	sdelay $0x4  }
0x37: {  	v1 =	vadd.s32 v0, v1  }
0x38: {  	[tilespmem:$0x1CE0] =	vst v1  }
0x39: {  	v1 =	vld [tilespmem:s17+$0x30];
	_ =	sdelay $0x4  }
0x3a: {  	v1 =	vadd.s32 v0, v1  }
0x3b: {  	[tilespmem:$0x1CF0] =	vst v1  }
0x3c: {  	[tilespmem:s13], [sflag:$0x2] =	stream.indirect.gather [hbm4b:s1+s9], $0x1, s12, s9, $0xb8;
	[tilespmem:$0x1E00] =	vst v63  }
0x3d: {  	_ =	swait.ge [sflag:s14], $0x80  }
0x3e: {  	[sflag:s14] =	ssyncset.done $0x0  }
0x3f: {  	s18 =	sadd.s32 $0x0, s7;
	[sflag:s14] =	ssyncadd.s32 $0xFFFFFF80  }
0x40: {  	[hbm4b:s18+s3] =	stream.linear.scatter [tilespmem:s11], [sflag:$0x3], $0x80, $0x38;
	[tilespmem:$0x1E00] =	vst v63  }
0x41: {  	_ =	swait.ge [sflag:s8], $0x80  }
0x42: {  	[sflag:s8] =	ssyncset.done $0x0  }
0x43: {  	p0 =	por $0x0, $0x0;
	[sflag:s8] =	ssyncadd.s32 $0xFFFFFF80  }
0x44: {  	v1 =	vld @!p0 [tilespmem:s17+$0x40];
	_ =	sdelay $0x4  }
0x45: {  	v1 =	vadd.s32 @!p0 v0, v1  }
0x46: {  	[tilespmem:$0x1C00] =	vst @!p0 v1  }
0x47: {  	v1 =	vld @!p0 [tilespmem:s17+$0x50];
	_ =	sdelay $0x4  }
0x48: {  	v1 =	vadd.s32 @!p0 v0, v1  }
0x49: {  	[tilespmem:$0x1C10] =	vst @!p0 v1  }
0x4a: {  	v1 =	vld @!p0 [tilespmem:s17+$0x60];
	_ =	sdelay $0x4  }
0x4b: {  	v1 =	vadd.s32 @!p0 v0, v1  }
0x4c: {  	[tilespmem:$0x1C20] =	vst @!p0 v1  }
0x4d: {  	v1 =	vld @!p0 [tilespmem:s17+$0x70];
	_ =	sdelay $0x4  }
0x4e: {  	v1 =	vadd.s32 @!p0 v0, v1  }
0x4f: {  	[tilespmem:$0x1C30] =	vst @!p0 v1  }
0x50: {  	v1 =	vld @!p0 [tilespmem:s17+$0x80];
	_ =	sdelay $0x4  }
0x51: {  	v1 =	vadd.s32 @!p0 v0, v1  }
0x52: {  	[tilespmem:$0x1C40] =	vst @!p0 v1  }
0x53: {  	v1 =	vld @!p0 [tilespmem:s17+$0x90];
	_ =	sdelay $0x4  }
0x54: {  	v1 =	vadd.s32 @!p0 v0, v1  }
0x55: {  	[tilespmem:$0x1C50] =	vst @!p0 v1  }
0x56: {  	v1 =	vld @!p0 [tilespmem:s17+$0xA0];
	_ =	sdelay $0x4  }
0x57: {  	v1 =	vadd.s32 @!p0 v0, v1  }
0x58: {  	[tilespmem:$0x1C60] =	vst @!p0 v1  }
0x59: {  	v1 =	vld @!p0 [tilespmem:s17+$0xB0];
	_ =	sdelay $0x4  }
0x5a: {  	v1 =	vadd.s32 @!p0 v0, v1  }
0x5b: {  	s19 =	simm.s32 @!p0 $0x1C00;
	s20 =	simm.s32 @!p0 $0x1D00;
	s18 =	simm.s32 @!p0 $0x80;
	[tilespmem:$0x1C70] =	vst @!p0 v1  }
0x5c: {  	[tilespmem:s20], [sflag:$0x1] =	stream.indirect.gather @!p0 [hbm4b:s1+s18], $0x1, s19, s18, $0xb8;
	[tilespmem:$0x1E00] =	vst v63  }
0x5d: {  	_ =	swait.ge [sflag:s15], $0x80  }
0x5e: {  	[sflag:s15] =	ssyncset.done $0x0  }
0x5f: {  	s31 =	sadd.s32 $0x0, s6;
	[sflag:s15] =	ssyncadd.s32 $0xFFFFFF80  }
0x60: {  	[hbm4b:s31+s3] =	stream.linear.scatter [tilespmem:s13], [sflag:$0x3], $0x80, $0x38;
	[tilespmem:$0x1E00] =	vst v63  }
0x61: {  	_ =	swait.ge [sflag:s8], $0x80  }
0x62: {  	s18 =	simm.s32 $0x20;
	[sflag:s8] =	ssyncset.done $0x0  }
.LBB2_2:
0x63: {  	[sflag:s8] =	ssyncadd.s32 $0xFFFFFF80  }
0x64: {  	s17 =	sadd.s32 $0x100, s17;
	s19 =	smov.u32 s18;
	s18 =	sadd.s32 $0x20, s18  }
0x65: {  	v1 =	vld [tilespmem:s17+$0xFFFFFFC0];
	p0 =	sne.s32 s18, $0x380;
	_ =	sdelay $0x4  }
0x66: {  	v1 =	vadd.s32 v0, v1  }
0x67: {  	[tilespmem:$0x1C80] =	vst v1  }
0x68: {  	v1 =	vld [tilespmem:s17+$0xFFFFFFD0];
	_ =	sdelay $0x4  }
0x69: {  	v1 =	vadd.s32 v0, v1  }
0x6a: {  	[tilespmem:$0x1C90] =	vst v1  }
0x6b: {  	v1 =	vld [tilespmem:s17+$0xFFFFFFE0];
	_ =	sdelay $0x4  }
0x6c: {  	v1 =	vadd.s32 v0, v1  }
0x6d: {  	[tilespmem:$0x1CA0] =	vst v1  }
0x6e: {  	v1 =	vld [tilespmem:s17+$0xFFFFFFF0];
	_ =	sdelay $0x4  }
0x6f: {  	v1 =	vadd.s32 v0, v1  }
0x70: {  	[tilespmem:$0x1CB0] =	vst v1  }
0x71: {  	v1 =	vld [tilespmem:s17+$0x0];
	_ =	sdelay $0x4  }
0x72: {  	v1 =	vadd.s32 v0, v1  }
0x73: {  	[tilespmem:$0x1CC0] =	vst v1  }
0x74: {  	v1 =	vld [tilespmem:s17+$0x10];
	_ =	sdelay $0x4  }
0x75: {  	v1 =	vadd.s32 v0, v1  }
0x76: {  	[tilespmem:$0x1CD0] =	vst v1  }
0x77: {  	v1 =	vld [tilespmem:s17+$0x20];
	_ =	sdelay $0x4  }
0x78: {  	v1 =	vadd.s32 v0, v1  }
0x79: {  	[tilespmem:$0x1CE0] =	vst v1  }
0x7a: {  	v1 =	vld [tilespmem:s17+$0x30];
	_ =	sdelay $0x4  }
0x7b: {  	v1 =	vadd.s32 v0, v1  }
0x7c: {  	[tilespmem:$0x1CF0] =	vst v1  }
0x7d: {  	[tilespmem:s13], [sflag:$0x2] =	stream.indirect.gather [hbm4b:s1+s9], $0x1, s12, s9, $0xb8;
	[tilespmem:$0x1E00] =	vst v63  }
0x7e: {  	_ =	swait.ge [sflag:s14], $0x80  }
0x7f: {  	[sflag:s14] =	ssyncset.done $0x0  }
0x80: {  	s20 =	sadd.s32 s19, s7;
	[sflag:s14] =	ssyncadd.s32 $0xFFFFFF80  }
0x81: {  	[hbm4b:s20+s3] =	stream.linear.scatter [tilespmem:s11], [sflag:$0x3], $0x80, $0x38;
	[tilespmem:$0x1E00] =	vst v63  }
0x82: {  	_ =	swait.ge [sflag:s8], $0x80  }
0x83: {  	[sflag:s8] =	ssyncset.done $0x0  }
0x84: {  	p1 =	seq.s32 s19, $0x360;
	[sflag:s8] =	ssyncadd.s32 $0xFFFFFF80  }
0x85: {  	v1 =	vld @!p1 [tilespmem:s17+$0x40];
	_ =	sdelay $0x4  }
0x86: {  	v1 =	vadd.s32 @!p1 v0, v1  }
0x87: {  	[tilespmem:$0x1C00] =	vst @!p1 v1  }
0x88: {  	v1 =	vld @!p1 [tilespmem:s17+$0x50];
	_ =	sdelay $0x4  }
0x89: {  	v1 =	vadd.s32 @!p1 v0, v1  }
0x8a: {  	[tilespmem:$0x1C10] =	vst @!p1 v1  }
0x8b: {  	v1 =	vld @!p1 [tilespmem:s17+$0x60];
	_ =	sdelay $0x4  }
0x8c: {  	v1 =	vadd.s32 @!p1 v0, v1  }
0x8d: {  	[tilespmem:$0x1C20] =	vst @!p1 v1  }
0x8e: {  	v1 =	vld @!p1 [tilespmem:s17+$0x70];
	_ =	sdelay $0x4  }
0x8f: {  	v1 =	vadd.s32 @!p1 v0, v1  }
0x90: {  	[tilespmem:$0x1C30] =	vst @!p1 v1  }
0x91: {  	v1 =	vld @!p1 [tilespmem:s17+$0x80];
	_ =	sdelay $0x4  }
0x92: {  	v1 =	vadd.s32 @!p1 v0, v1  }
0x93: {  	[tilespmem:$0x1C40] =	vst @!p1 v1  }
0x94: {  	v1 =	vld @!p1 [tilespmem:s17+$0x90];
	_ =	sdelay $0x4  }
0x95: {  	v1 =	vadd.s32 @!p1 v0, v1  }
0x96: {  	[tilespmem:$0x1C50] =	vst @!p1 v1  }
0x97: {  	v1 =	vld @!p1 [tilespmem:s17+$0xA0];
	_ =	sdelay $0x4  }
0x98: {  	v1 =	vadd.s32 @!p1 v0, v1  }
0x99: {  	[tilespmem:$0x1C60] =	vst @!p1 v1  }
0x9a: {  	v1 =	vld @!p1 [tilespmem:s17+$0xB0];
	_ =	sdelay $0x4  }
0x9b: {  	v1 =	vadd.s32 @!p1 v0, v1  }
0x9c: {  	s21 =	simm.s32 @!p1 $0x1C00;
	s22 =	simm.s32 @!p1 $0x1D00;
	s20 =	simm.s32 @!p1 $0x80;
	[tilespmem:$0x1C70] =	vst @!p1 v1  }
0x9d: {  	[tilespmem:s22], [sflag:$0x1] =	stream.indirect.gather @!p1 [hbm4b:s1+s20], $0x1, s21, s20, $0xb8;
	[tilespmem:$0x1E00] =	vst v63  }
0x9e: {  	_ =	swait.ge [sflag:s15], $0x80  }
.Ltmp0:
0x9f: {  	[sflag:s15] =	ssyncset.done $0x0;
	(pc) =	sbr.rel @p0 .LBB2_2-.Ltmp0, $4  }
0xa0: {  	s19 =	sadd.s32 s19, s6;
	[sflag:s15] =	ssyncadd.s32 $0xFFFFFF80  }
0xa1: {  	[hbm4b:s19+s3] =	stream.linear.scatter [tilespmem:s13], [sflag:$0x3], $0x80, $0x38;
	[tilespmem:$0x1E00] =	vst v63  }
0xa2: {  	_ =	swait.ge [sflag:s8], $0x80  }
0xa3: {  	[sflag:s8] =	ssyncset.done $0x0  }
0xa4: {  	s16 =	sadd.s32 $0x1, s16  }
0xa5: {  	p0 =	sne.s32 s16, s5  }
.Ltmp1:
0xa6: {  	_ = 	snop;
	(pc) =	sbr.rel @p0 .LBB2_1-.Ltmp1, $2  }
0xa7: {  	_ =	sdelay $0x2  }
0xa8: {  	[sflag:s8] =	ssyncadd.s32 $0xFFFFFF80  }
0xa9: {  	_ =	sfence.sel $0x180000  }
0xaa: {  	[bflag:$0x0] =	sbarrier.arrive $0xFFFF  }
0xab: {  	p0 =	sne.s32 s2, $0x0;
	_ =	strace $0x90000047  }
0xac: {  	s0 =	sadd.s32 @!p0 $0x100000, s0;
	[bflag:$0x2] =	sbarrier.arrive $0xFFFF  }
0xad: {  	[sflag:s0] =	ssyncadd.tile.s32 @!p0 $0x1;
	_ =	shalt  }
.Lfunc_end2:
_tile_overlayer_lowered:
.L_overlay_start_2:
0xae: {  	(tag) =	ssettag $0x2  }
0xaf: {  	s0 =	rddreg [dreg:$0x0];
	s2 =	stileid.u32  }
0xb0: {  	s1 =	rddreg [dreg:$0x1];
	p0 =	sne.s32 s2, $0x0  }
0xb1: {  	s3 =	rddreg [dreg:$0x2];
	[bflag:$0x3] =	sbarrier.arrive $0xFFFF;
	s2 =	simm.s32 @!p0 $0x1C03  }
0xb2: {  	[timem:s3], [sflag:s2] =	dma.local @!p0 [hbm:s0], s1  }
0xb3: {  	s0 =	simm.s32 @!p0 $0x3  }
0xb4: {  	_ =	swait.ge @!p0 [sflag:s0], s1  }
0xb5: {  	s1 =	ssub.s32 @!p0 $0x0, s1;
	[sflag:s0] =	ssyncset.done @!p0 $0x0  }
0xb6: {  	[sflag:s0] =	ssyncadd.s32 @!p0 s1  }
0xb7: {  	[bflag:$0x3] =	sbarrier.arrive $0xFFFF  }
0xb8: {  	_ =	shalt  }

// kernel: kernel.7.cloned.1.call-start
scs
__scs_entry_jumppad:
0x0: {  	(pc) =	sbr.rel $0x88, $3  }
0x1: {  	(tag) =	ssettag $0x0;
	lr =	simm.s32 $0x1  }
0x2: {  	[smem:$0x3F9E] =	sst lr;
	_ =	strace $0xD0000000  }
0x3: {  	_ = 	snop  }
0x4: {  	_ = 	snop  }
0x5: {  	_ = 	snop  }
0x6: {  	_ = 	snop  }
0x7: {  	_ = 	snop  }
__scs_overlays_trampoline_lowered:
0x8: {  	[smem:$0x3FAD] =	sst s0  }
0x9: {  	[smem:$0x3FAE] =	sst s1  }
0xa: {  	[smem:$0x3FAF] =	sst s2  }
0xb: {  	[smem:$0x3FB0] =	sst s3  }
0xc: {  	[smem:$0x3FB1] =	sst s4  }
0xd: {  	[smem:$0x3FB2] =	sst s5  }
0xe: {  	[smem:$0x3FB3] =	sst s6  }
0xf: {  	[smem:$0x3FB4] =	sst s7  }
0x10: {  	[smem:$0x3FB5] =	sst s8  }
0x11: {  	[smem:$0x3FB6] =	sst s9;
	s0 =	simm.s32 @!p0 $0x0  }
0x12: {  	s1 =	sld [smem:$0x3F9C];
	s0 =	simm.s32 @p0 $0x1  }
0x13: {  	[smem:$0x3FB7] =	sst s0;
	s0 =	simm.s32 @!p1 $0x0  }
0x14: {  	s2 =	sld [smem:$0x3F9B];
	s0 =	simm.s32 @p1 $0x1  }
0x15: {  	[smem:$0x3FB8] =	sst s0;
	s0 =	simm.s32 @!p2 $0x0  }
0x16: {  	s3 =	sld [smem:$0x3FDB];
	s0 =	simm.s32 @p2 $0x1  }
0x17: {  	s4 =	simm.s32 $0x1BF5;
	[smem:$0x3FBA] =	sst s0  }
0x18: {  	s0 =	sld [smem:$0x3F9D];
	_ =	swait.ge [sflag:s4], $0x0  }
0x19: {  	s7 =	sld [smem:$0x3F9E]  }
0x1a: {  	s8 =	sadd.s32 $0xFFFFE003, lr  }
0x1b: {  	s9 =	sadd.s32 $0xFFFFFEF7, lr;
	s5 =	simm.s32 $0xFFFFFFFF;
	p2 =	slt.u32 s8, $0xFFFFF086  }
0x1c: {  	p1 =	slt.u32 s9, $0xF7A;
	s5 =	simm.s32 @!p2 $0x0  }
0x1d: {  	s5 =	simm.s32 @p1 $0x1;
	p0 =	seq.s32 s7, s2  }
0x1e: {  	s7 =	smul.u32 @!p0 $0xF7A, s2;
	p2 =	seq.s32 @!p0 s5, $0x0  }
0x1f: {  	s9 =	smul.u32 $0xF7A, s1;
	s8 =	simm.s32 @!p0 $0x1BF5;
	p2 =	por !p2, p0  }
0x20: {  	[sflag:s8] =	ssyncset.s32 @!p0 $0xFFFFF086;
	s6 =	sadd.s32 @!p0 s3, s7;
	s7 =	simm.s32 @!p0 $0x108  }
0x21: {  	s3 =	sadd.s32 s3, s9;
	s6 =	sadd.s32 @!p0 $0x88, s6;
	s7 =	simm.s32 @p2 $0x1082  }
0x22: {  	[simem:s7], [sflag:s8] =	dma.local @!p0 [hbm:s6], $0xF7A  }
0x23: {  	s9 =	sor.u32 $0xD0000000, s2;
	s6 =	simm.s32 $0x108;
	_ =	swait.ge @!p0 [sflag:s8], $0x0  }
0x24: {  	s3 =	sadd.s32 $0x88, s3;
	s6 =	simm.s32 @!p1 $0x1082;
	[sflag:s4] =	ssyncset.s32 $0xFFFFF086  }
0x25: {  	[simem:s6], [sflag:s4] =	dma.local [hbm:s3], $0xF7A  }
0x26: {  	[smem:$0x3F9E] =	sst s1;
	(tag) =	ssettag s2;
	_ =	strace s9  }
0x27: {  	s1 =	sld [smem:$0x3FAE]  }
0x28: {  	s2 =	sld [smem:$0x3FAF]  }
0x29: {  	s4 =	sld [smem:$0x3FB1]  }
0x2a: {  	p0 =	seq.s32 s5, $0x0;
	s5 =	sld [smem:$0x3FB2]  }
0x2b: {  	s6 =	sld [smem:$0x3FB3]  }
0x2c: {  	s7 =	sld [smem:$0x3FB4]  }
0x2d: {  	s3 =	simm.s32 $0x108;
	s8 =	sld [smem:$0x3FB5]  }
0x2e: {  	s3 =	simm.s32 @!p0 $0x1082;
	s9 =	sld [smem:$0x3FB6]  }
0x2f: {  	lr =	sadd.s32 s0, s3;
	s0 =	sld [smem:$0x3FAD]  }
0x30: {  	s3 =	sld [smem:$0x3FB0]  }
0x31: {  	[smem:$0x3FB9] =	sst s10  }
0x32: {  	s10 =	sld [smem:$0x3FB7];
	_ =	sdelay $0x3  }
0x33: {  	p0 =	seq.s32 s10, $0x1;
	s10 =	sld [smem:$0x3FB9];
	_ =	sdelay $0x3  }
0x34: {  	[smem:$0x3FB9] =	sst s10  }
0x35: {  	s10 =	sld [smem:$0x3FB8];
	_ =	sdelay $0x3  }
0x36: {  	p1 =	seq.s32 s10, $0x1;
	s10 =	sld [smem:$0x3FB9];
	_ =	sdelay $0x3  }
0x37: {  	[smem:$0x3FB9] =	sst s10  }
0x38: {  	s10 =	sld [smem:$0x3FBA]  }
0x39: {  	_ = 	snop;
	(pc) =	sbr.ind lr, $3  }
0x3a: {  	_ = 	snop  }
0x3b: {  	_ = 	snop  }
0x3c: {  	p2 =	seq.s32 s10, $0x1;
	s10 =	sld [smem:$0x3FB9]  }
0x3d: {  	_ =	shalt  }
0x3e: {  	_ =	shalt  }
0x3f: {  	_ =	shalt  }
0x40: {  	_ =	shalt  }
0x41: {  	_ =	shalt  }
0x42: {  	_ =	shalt  }
0x43: {  	_ =	shalt  }
0x44: {  	_ =	shalt  }
0x45: {  	_ =	shalt  }
0x46: {  	_ =	shalt  }
0x47: {  	_ =	shalt  }
0x48: {  	_ =	shalt  }
0x49: {  	_ =	shalt  }
0x4a: {  	_ =	shalt  }
0x4b: {  	_ =	shalt  }
0x4c: {  	_ =	shalt  }
0x4d: {  	_ =	shalt  }
0x4e: {  	_ =	shalt  }
0x4f: {  	_ =	shalt  }
0x50: {  	_ =	shalt  }
0x51: {  	_ =	shalt  }
0x52: {  	_ =	shalt  }
0x53: {  	_ =	shalt  }
0x54: {  	_ =	shalt  }
0x55: {  	_ =	shalt  }
0x56: {  	_ =	shalt  }
0x57: {  	_ =	shalt  }
0x58: {  	_ =	shalt  }
0x59: {  	_ =	shalt  }
0x5a: {  	_ =	shalt  }
0x5b: {  	_ =	shalt  }
0x5c: {  	_ =	shalt  }
0x5d: {  	_ =	shalt  }
0x5e: {  	_ =	shalt  }
0x5f: {  	_ =	shalt  }
0x60: {  	_ =	shalt  }
0x61: {  	_ =	shalt  }
0x62: {  	_ =	shalt  }
0x63: {  	_ =	shalt  }
0x64: {  	_ =	shalt  }
0x65: {  	_ =	shalt  }
0x66: {  	_ =	shalt  }
0x67: {  	_ =	shalt  }
0x68: {  	_ =	shalt  }
0x69: {  	_ =	shalt  }
0x6a: {  	_ =	shalt  }
0x6b: {  	_ =	shalt  }
0x6c: {  	_ =	shalt  }
0x6d: {  	_ =	shalt  }
0x6e: {  	_ =	shalt  }
0x6f: {  	_ =	shalt  }
0x70: {  	_ =	shalt  }
0x71: {  	_ =	shalt  }
0x72: {  	_ =	shalt  }
0x73: {  	_ =	shalt  }
0x74: {  	_ =	shalt  }
0x75: {  	_ =	shalt  }
0x76: {  	_ =	shalt  }
0x77: {  	_ =	shalt  }
0x78: {  	_ =	shalt  }
0x79: {  	_ =	shalt  }
0x7a: {  	_ =	shalt  }
0x7b: {  	_ =	shalt  }
0x7c: {  	_ =	shalt  }
0x7d: {  	_ =	shalt  }
0x7e: {  	_ =	shalt  }
0x7f: {  	_ =	shalt  }
0x80: {  	_ =	shalt  }
0x81: {  	_ =	shalt  }
0x82: {  	_ =	shalt  }
0x83: {  	_ =	shalt  }
0x84: {  	_ =	shalt  }
0x85: {  	_ =	shalt  }
0x86: {  	_ =	shalt  }
0x87: {  	_ =	shalt  }
.Lfunc_end0:
.L_simem_size_0:
called_computation.2_lowered:
.L_overlay_start_0:
0x88: {  	s2 =	sld [smem:$0x3FD9]  }
0x89: {  	s3 =	sld [smem:$0x3FFE];
	_ =	sdelay $0x1  }
0x8a: {  	s1 =	srdreg.scid  }
0x8b: {  	s0 =	sand.u32 $0x1, s1  }
0x8c: {  	s16 =	sshll.u32 s0, $0xA;
	s2 =	sadd.s32 s3, s2  }
0x8d: {  	s2 =	sadd.s32 s2, s16  }
0x8e: {  	[smem:$0x3FC5] =	sst s2  }
0x8f: {  	_ = 	snop  }
0x90: {  	(tm) =	ssettm $0x1  }
0x91: {  	s17 =	sld [smem:$0x3FFB];
	_ =	sdelay $0x3  }
0x92: {  	_ =	strace s17  }
0x93: {  	s2 =	sld [smem:$0x3FFC];
	_ =	sdelay $0x3  }
0x94: {  	_ =	strace s2  }
0x95: {  	s2 =	sld [smem:$0x3FFD];
	_ =	sdelay $0x3  }
0x96: {  	_ =	strace s2  }
0x97: {  	_ =	strace $0x8FFFFFFF  }
0x98: {  	s18 =	sld [smem:$0x3FDB];
	_ =	sdelay $0x1  }
0x99: {  	s19 =	simm.s32 $_scs_section_size  }
0x9a: {  	s4 =	simm.s32 $_size__tile_overlayer_lowered;
	s5 =	simm.s32 $_tile_overlayer_lowered  }
0x9b: {  	s22 =	simm.s32 $0x1BFF;
	s21 =	sshll.u32 s5, $0x1;
	s2 =	sadd.s32 s19, s18  }
0x9c: {  	s6 =	simm.s32 $0x0;
	s20 =	sshll.u32 s4, $0x1;
	s4 =	sadd.s32 s21, s2  }
0x9d: {  	[timem:s6], [sflag:s22] =	dma.local [hbm:s4], s20  }
0x9e: {  	_ =	swait.ge [sflag:s22], s20  }
0x9f: {  	s3 =	ssub.s32 $0x0, s20;
	[sflag:s22] =	ssyncset.done $0x0  }
0xa0: {  	[sflag:s22] =	ssyncadd.s32 s3;
	_ =	sdelay $0x1  }
0xa1: {  	s23 =	simm.s32 $0x1B8B  }
0xa2: {  	_ =	swait.ge [sflag:s23], $0x1  }
0xa3: {  	[sflag:s23] =	ssyncset.done $0x0  }
0xa4: {  	s25 =	simm.s32 $0x1B8E;
	s24 =	sld [smem:$0x3FFE];
	[sflag:s23] =	ssyncadd.s32 $0xFFFFFFFF  }
0xa5: {  	s26 =	simm.s32 $execute0_lowered;
	[smem:$0x3FD2] =	sst s25  }
0xa6: {  	s4 =	sshll.u32 s26, $0x1;
	_ =	strace $0x80000049;
	[dreg:$0x1] =	wrdreg $0xFFFFFFFF  }
0xa7: {  	s28 =	simm.s32 $_size_execute0_lowered;
	s2 =	sadd.s32 s2, s4;
	[dreg:$0x0] =	wrdreg $0x0  }
0xa8: {  	s4 =	sshll.u32 s28, $0x1;
	[dreg:$0x2] =	wrdreg s2  }
0xa9: {  	[dreg:$0x3] =	wrdreg s4  }
0xaa: {  	[dreg:$0x4] =	wrdreg $0xC0  }
0xab: {  	_ =	task [dreg:s6], $0x5FFFF  }
0xac: {  	[dreg:$0x1] =	wrdreg $0xFFFFFFFF  }
0xad: {  	[dreg:$0x0] =	wrdreg $0x60  }
0xae: {  	[dreg:$0x2] =	wrdreg s24  }
0xaf: {  	[dreg:$0x3] =	wrdreg $0x9  }
0xb0: {  	_ =	task.clear_ibuf [dreg:s6], $0x4FFFF;
	_ =	strace $0x90000049  }
0xb1: {  	s29 =	simm.s32 $0x9;
	_ =	strace $0x8000004B  }
0xb2: {  	_ =	swait.ge [sflag:s29], $0x1  }
0xb3: {  	[sflag:s29] =	ssyncadd.s32 $0xFFFFFFFF  }
0xb4: {  	_ =	strace $0x9000004B  }
0xb5: {  	_ =	sfence  }
0xb6: {  	s30 =	sld [smem:$0x0];
	_ =	sdelay $0x2  }
0xb7: {  	s31 =	sshll.u32 s1, $0xD;
	s1 =	sshrl.u32 s1, $0x2  }
0xb8: {  	s3 =	sand.u32 $0x4000, s31;
	s1 =	sadd.s32 s1, s30  }
0xb9: {  	s0 =	sor.u32 s3, s0;
	s1 =	sshll.u32 s1, $0x11  }
0xba: {  	s0 =	sor.u32 s1, s0  }
0xbb: {  	s0 =	sadd.s32 $0x8F2B, s0  }
0xbc: {  	[sflag:s0] =	ssyncadd.remote.s32 $0x1  }
0xbd: {  	_ =	sfence.sel $0xFFFF  }
0xbe: {  	[dreg:$0x0] =	wrdreg $0xFFFFFFFF;
	(pc) =	sbr.abs _section_cstart, $3  }
0xbf: {  	[dreg:$0x1] =	wrdreg $0xFFFFFFFF  }
0xc0: {  	_ =	task.clear_ibuf [dreg:s6], $0x2FFFF;
	_ =	strace $0x9FFFFFFF  }
0xc1: {  	(tm) =	ssettm $0x7FFFFFFF  }
tec
execute0_lowered:
.L_overlay_start_1:
0x0: {  	(tag) =	ssettag $0x1  }
0x1: {  	s1 =	srdreg.scid  }
0x2: {  	s0 =	stileid.u32;
	s3 =	rddreg [dreg:$0x0];
	s2 =	simm.s32 $0x0  }
0x3: {  	s12 =	simm.s32 $0x80;
	s13 =	simm.s32 $0x5C00;
	s14 =	simm.s32 $0x1  }
0x4: {  	s15 =	simm.s32 $0x2;
	s16 =	simm.s32 $0x1B80;
	s17 =	simm.s32 $0x0  }
0x5: {  	s4 =	sand.u32 $0x1, s1;
	s7 =	sshrl.u32 s0, $0x2;
	s10 =	smul.u32 $0x1C0000, s0  }
0x6: {  	s5 =	sshll.u32 s0, $0x1;
	s1 =	rddreg [dreg:$0x1];
	s7 =	smul.u32 $0x186A80, s7  }
0x7: {  	[smem:$0x7FF] =	sst s2;
	s5 =	sor.u32 s4, s5;
	s26 =	smul.u32 $0xE0000, s4  }
0x8: {  	s11 =	sadd.s32 $0x7E00, s3;
	s8 =	ssub.s32 $0x2, s4;
	s6 =	smul.u32 $0x380, s5  }
0x9: {  	_ =	strace $0x8000004A;
	s5 =	smul.u32 $0xE0000, s5;
	s9 =	sshrl.u32 s8, $0x1  }
0xa: {  	s7 =	sadd.s32 s7, s3;
	s8 =	ssub.s32 s8, s9;
	s30 =	sadd.s32 s26, s10  }
0xb: {  	s6 =	sadd.s32 s6, s3;
	s4 =	sadd.s32 $0x622800, s7;
	s28 =	sshrl.u32 s5, $0x3  }
0xc: {  	s5 =	smax.u32 s8, $0x1;
	s9 =	sshrl.u32 s30, $0x3;
	s10 =	sor.u32 $0x4000, s30  }
0xd: {  	s3 =	sadd.s32 $0xE00, s6;
	s29 =	sadd.s32 s11, s28;
	s8 =	sadd.s32 s9, s11  }
0xe: {  	s31 =	sshrl.u32 s10, $0x3;
	s10 =	simm.s32 $0x3;
	s6 =	sadd.s32 $0x1B000, s29  }
0xf: {  	s7 =	sadd.s32 $0x1B800, s29;
	s9 =	sadd.s32 s31, s11;
	s11 =	simm.s32 $0x1C00  }
.LBB2_1:
0x10: {  	[tilespmem:s2], [sflag:$0x3] =	stream.linear.gather [hbm4b:s3+s2], $0x1C00, $0x38;
	[tilespmem:$0x9C00] =	vst v63  }
0x11: {  	_ =	swait.ge [sflag:s10], $0x1C00  }
0x12: {  	[sflag:s10] =	ssyncset.done $0x0  }
0x13: {  	[sflag:s10] =	ssyncadd.s32 $0xFFFFE400  }
0x14: {  	[tilespmem:s11], [sflag:$0x1] =	stream.indirect.gather [hbm4b:s4+s12], $0x80, s2, s12, $0xb8;
	[tilespmem:$0x9C00] =	vst v63  }
0x15: {  	_ = 	snop  }
0x16: {  	[tilespmem:s13], [sflag:$0x2] =	stream.indirect.gather [hbm4b:s4+s12], $0x80, s12, s12, $0xb8;
	[tilespmem:$0x9C00] =	vst v63  }
0x17: {  	_ =	swait.ge [sflag:s14], $0x4000  }
0x18: {  	[sflag:s14] =	ssyncset.done $0x0  }
0x19: {  	s18 =	sadd.s32 $0x0, s8;
	[sflag:s14] =	ssyncadd.s32 $0xFFFFC000  }
0x1a: {  	[hbm4b:s18+s2] =	stream.linear.scatter [tilespmem:s11], [sflag:$0x3], $0x4000, $0x38;
	[tilespmem:$0x9C00] =	vst v63  }
0x1b: {  	_ =	swait.ge [sflag:s10], $0x4000  }
0x1c: {  	[sflag:s10] =	ssyncset.done $0x0  }
0x1d: {  	s30 =	simm.s32 $0x100;
	[sflag:s10] =	ssyncadd.s32 $0xFFFFC000  }
0x1e: {  	[tilespmem:s11], [sflag:$0x1] =	stream.indirect.gather [hbm4b:s4+s12], $0x80, s30, s12, $0xb8;
	[tilespmem:$0x9C00] =	vst v63  }
0x1f: {  	_ =	swait.ge [sflag:s15], $0x4000  }
0x20: {  	[sflag:s15] =	ssyncset.done $0x0  }
0x21: {  	s31 =	sadd.s32 $0x0, s9;
	[sflag:s15] =	ssyncadd.s32 $0xFFFFC000  }
0x22: {  	[hbm4b:s31+s2] =	stream.linear.scatter [tilespmem:s13], [sflag:$0x3], $0x4000, $0x38;
	[tilespmem:$0x9C00] =	vst v63  }
0x23: {  	_ =	swait.ge [sflag:s10], $0x4000  }
0x24: {  	s19 =	simm.s32 $0x80;
	s18 =	simm.s32 $0x1000;
	[sflag:s10] =	ssyncset.done $0x0  }
.LBB2_2:
0x25: {  	p0 =	sne.s32 s18, $0x1A000;
	[sflag:s10] =	ssyncadd.s32 $0xFFFFC000;
	s19 =	sadd.s32 $0x100, s19  }
0x26: {  	[tilespmem:s13], [sflag:$0x2] =	stream.indirect.gather [hbm4b:s4+s12], $0x80, s19, s12, $0xb8;
	[tilespmem:$0x9C00] =	vst v63  }
0x27: {  	s20 =	smov.u32 s18;
	s18 =	sadd.s32 $0x1000, s18;
	_ =	swait.ge [sflag:s14], $0x4000  }
0x28: {  	[sflag:s14] =	ssyncset.done $0x0  }
0x29: {  	s21 =	sadd.s32 s20, s8;
	[sflag:s14] =	ssyncadd.s32 $0xFFFFC000  }
0x2a: {  	[hbm4b:s21+s2] =	stream.linear.scatter [tilespmem:s11], [sflag:$0x3], $0x4000, $0x38;
	[tilespmem:$0x9C00] =	vst v63  }
0x2b: {  	_ =	swait.ge [sflag:s10], $0x4000  }
0x2c: {  	[sflag:s10] =	ssyncset.done $0x0  }
0x2d: {  	s21 =	sadd.s32 $0x80, s19;
	[sflag:s10] =	ssyncadd.s32 $0xFFFFC000  }
0x2e: {  	[tilespmem:s11], [sflag:$0x1] =	stream.indirect.gather [hbm4b:s4+s12], $0x80, s21, s12, $0xb8;
	[tilespmem:$0x9C00] =	vst v63  }
0x2f: {  	_ =	swait.ge [sflag:s15], $0x4000  }
.Ltmp0:
0x30: {  	[sflag:s15] =	ssyncset.done $0x0;
	(pc) =	sbr.rel @p0 .LBB2_2-.Ltmp0, $4  }
0x31: {  	s20 =	sadd.s32 s20, s9;
	[sflag:s15] =	ssyncadd.s32 $0xFFFFC000  }
0x32: {  	[hbm4b:s20+s2] =	stream.linear.scatter [tilespmem:s13], [sflag:$0x3], $0x4000, $0x38;
	[tilespmem:$0x9C00] =	vst v63  }
0x33: {  	_ =	swait.ge [sflag:s10], $0x4000  }
0x34: {  	[sflag:s10] =	ssyncset.done $0x0  }
0x35: {  	[sflag:s10] =	ssyncadd.s32 $0xFFFFC000  }
0x36: {  	[tilespmem:s13], [sflag:$0x2] =	stream.indirect.gather [hbm4b:s4+s12], $0x80, s16, s12, $0xb8;
	[tilespmem:$0x9C00] =	vst v63  }
0x37: {  	_ =	swait.ge [sflag:s14], $0x4000  }
0x38: {  	[sflag:s14] =	ssyncset.done $0x0  }
0x39: {  	[sflag:s14] =	ssyncadd.s32 $0xFFFFC000  }
0x3a: {  	[hbm4b:s6+s2] =	stream.linear.scatter [tilespmem:s11], [sflag:$0x3], $0x4000, $0x38;
	[tilespmem:$0x9C00] =	vst v63  }
0x3b: {  	_ =	swait.ge [sflag:s10], $0x4000  }
0x3c: {  	[sflag:s10] =	ssyncset.done $0x0  }
0x3d: {  	[sflag:s10] =	ssyncadd.s32 $0xFFFFC000  }
0x3e: {  	s17 =	sadd.s32 $0x1, s17;
	_ =	swait.ge [sflag:s15], $0x4000  }
0x3f: {  	p0 =	sne.s32 s17, s5;
	[sflag:s15] =	ssyncset.done $0x0  }
.Ltmp1:
0x40: {  	[sflag:s15] =	ssyncadd.s32 $0xFFFFC000;
	(pc) =	sbr.rel @p0 .LBB2_1-.Ltmp1, $4  }
0x41: {  	[hbm4b:s7+s2] =	stream.linear.scatter [tilespmem:s13], [sflag:$0x3], $0x4000, $0x38;
	[tilespmem:$0x9C00] =	vst v63  }
0x42: {  	_ =	swait.ge [sflag:s10], $0x4000  }
0x43: {  	[sflag:s10] =	ssyncset.done $0x0  }
0x44: {  	[sflag:s10] =	ssyncadd.s32 $0xFFFFC000  }
0x45: {  	_ =	sfence.sel $0x180000  }
0x46: {  	[bflag:$0x0] =	sbarrier.arrive $0xFFFF  }
0x47: {  	p0 =	sne.s32 s0, $0x0;
	_ =	strace $0x9000004A  }
0x48: {  	s0 =	sadd.s32 @!p0 $0x100000, s1;
	[bflag:$0x2] =	sbarrier.arrive $0xFFFF  }
0x49: {  	[sflag:s0] =	ssyncadd.tile.s32 @!p0 $0x1;
	_ =	shalt  }
.Lfunc_end2:
_tile_overlayer_lowered:
.L_overlay_start_2:
0x4a: {  	(tag) =	ssettag $0x2  }
0x4b: {  	s0 =	rddreg [dreg:$0x0];
	s2 =	stileid.u32  }
0x4c: {  	s1 =	rddreg [dreg:$0x1];
	p0 =	sne.s32 s2, $0x0  }
0x4d: {  	s3 =	rddreg [dreg:$0x2];
	[bflag:$0x3] =	sbarrier.arrive $0xFFFF;
	s2 =	simm.s32 @!p0 $0x1C03  }
0x4e: {  	[timem:s3], [sflag:s2] =	dma.local @!p0 [hbm:s0], s1  }
0x4f: {  	s0 =	simm.s32 @!p0 $0x3  }
0x50: {  	_ =	swait.ge @!p0 [sflag:s0], s1  }
0x51: {  	s1 =	ssub.s32 @!p0 $0x0, s1;
	[sflag:s0] =	ssyncset.done @!p0 $0x0  }
0x52: {  	[sflag:s0] =	ssyncadd.s32 @!p0 s1  }
0x53: {  	[bflag:$0x3] =	sbarrier.arrive $0xFFFF  }
0x54: {  	_ =	shalt  }

// kernel: sparse-core-data-format-call.cloned.1.call-start
scs
called_computation_lowered:
.L_overlay_start_0:
0x0: {  	s2 =	sld [smem:$0x3FD9]  }
0x1: {  	s3 =	sld [smem:$0x3FFE];
	_ =	sdelay $0x1  }
0x2: {  	s1 =	srdreg.scid  }
0x3: {  	s0 =	sand.u32 $0x1, s1  }
0x4: {  	s15 =	sshll.u32 s0, $0xA;
	s2 =	sadd.s32 s3, s2  }
0x5: {  	s2 =	sadd.s32 s2, s15  }
0x6: {  	[smem:$0x3FC5] =	sst s2  }
0x7: {  	_ = 	snop  }
0x8: {  	s2 =	sld [smem:$0x3FD0];
	_ =	sdelay $0x2  }
0x9: {  	s16 =	simm.s32 $0xA;
	s4 =	simm.s32 $0x10  }
0xa: {  	[smem:s4], [sflag:s16] =	dma.local [hbm:s2], $0x1  }
0xb: {  	_ =	swait.eq [sflag:s16], $0x1  }
0xc: {  	[sflag:s16] =	ssyncset.done $0x0  }
0xd: {  	[sflag:s16] =	ssyncadd.s32 $0xFFFFFFFF  }
0xe: {  	s17 =	sld [smem:$0x10];
	(tm) =	ssettm $0x1  }
0xf: {  	s18 =	sld [smem:$0x3FFB];
	_ =	sdelay $0x3  }
0x10: {  	_ =	strace s18  }
0x11: {  	s3 =	sld [smem:$0x3FFC];
	_ =	sdelay $0x3  }
0x12: {  	_ =	strace s3  }
0x13: {  	s3 =	sld [smem:$0x3FFD];
	_ =	sdelay $0x3  }
0x14: {  	_ =	strace s3  }
0x15: {  	_ =	strace $0x8FFFFFFF  }
0x16: {  	s19 =	sld [smem:$0x3FDB];
	_ =	sdelay $0x1  }
0x17: {  	s20 =	simm.s32 $_scs_section_size  }
0x18: {  	s5 =	simm.s32 $_size__tile_overlayer_lowered;
	s6 =	simm.s32 $_tile_overlayer_lowered  }
0x19: {  	s23 =	simm.s32 $0x1BFF;
	s22 =	sshll.u32 s6, $0x1;
	s3 =	sadd.s32 s20, s19  }
0x1a: {  	s7 =	simm.s32 $0x0;
	s21 =	sshll.u32 s5, $0x1;
	s5 =	sadd.s32 s22, s3  }
0x1b: {  	[timem:s7], [sflag:s23] =	dma.local [hbm:s5], s21  }
0x1c: {  	_ =	swait.ge [sflag:s23], s21  }
0x1d: {  	s4 =	ssub.s32 $0x0, s21;
	[sflag:s23] =	ssyncset.done $0x0  }
0x1e: {  	[sflag:s23] =	ssyncadd.s32 s4;
	_ =	sdelay $0x1  }
0x1f: {  	s24 =	simm.s32 $0x1B8B  }
0x20: {  	_ =	swait.ge [sflag:s24], $0x1  }
0x21: {  	[sflag:s24] =	ssyncset.done $0x0  }
0x22: {  	s26 =	simm.s32 $0x1B8E;
	s25 =	sld [smem:$0x3FFE];
	[sflag:s24] =	ssyncadd.s32 $0xFFFFFFFF  }
0x23: {  	s27 =	simm.s32 $execute0_lowered;
	[smem:$0x3FD2] =	sst s26  }
0x24: {  	s5 =	sshll.u32 s27, $0x1;
	_ =	strace $0x8000004C;
	[dreg:$0x1] =	wrdreg $0xFFFFFFFF  }
0x25: {  	s28 =	simm.s32 $_size_execute0_lowered;
	s3 =	sadd.s32 s3, s5;
	[dreg:$0x0] =	wrdreg $0x0  }
0x26: {  	s5 =	sshll.u32 s28, $0x1;
	[dreg:$0x2] =	wrdreg s3  }
0x27: {  	[dreg:$0x3] =	wrdreg s5  }
0x28: {  	[dreg:$0x4] =	wrdreg $0xC0  }
0x29: {  	_ =	task [dreg:s7], $0x5FFFF  }
0x2a: {  	[dreg:$0x1] =	wrdreg $0xFFFFFFFF  }
0x2b: {  	[dreg:$0x0] =	wrdreg $0x60  }
0x2c: {  	[dreg:$0x2] =	wrdreg s25  }
0x2d: {  	[dreg:$0x3] =	wrdreg s17  }
0x2e: {  	[dreg:$0x4] =	wrdreg $0x9  }
0x2f: {  	_ =	task.clear_ibuf [dreg:s7], $0x5FFFF;
	_ =	strace $0x9000004C  }
0x30: {  	s29 =	simm.s32 $0x9;
	_ =	strace $0x8000004E  }
0x31: {  	_ =	swait.ge [sflag:s29], $0x1  }
0x32: {  	[sflag:s29] =	ssyncadd.s32 $0xFFFFFFFF  }
0x33: {  	_ =	strace $0x9000004E  }
0x34: {  	_ =	sfence  }
0x35: {  	s30 =	sld [smem:$0x0];
	_ =	sdelay $0x2  }
0x36: {  	s31 =	sshll.u32 s1, $0xD;
	s1 =	sshrl.u32 s1, $0x2  }
0x37: {  	s3 =	sand.u32 $0x4000, s31;
	s1 =	sadd.s32 s1, s30  }
0x38: {  	s0 =	sor.u32 s3, s0;
	s1 =	sshll.u32 s1, $0x11  }
0x39: {  	s0 =	sor.u32 s1, s0  }
0x3a: {  	s0 =	sadd.s32 $0x8F2B, s0  }
0x3b: {  	[sflag:s0] =	ssyncadd.remote.s32 $0x1  }
0x3c: {  	_ =	sfence.sel $0xFFFF  }
0x3d: {  	[dreg:$0x0] =	wrdreg $0xFFFFFFFF;
	(pc) =	sbr.abs _section_cstart, $3  }
0x3e: {  	[dreg:$0x1] =	wrdreg $0xFFFFFFFF  }
0x3f: {  	_ =	task.clear_ibuf [dreg:s7], $0x2FFFF;
	_ =	strace $0x9FFFFFFF  }
0x40: {  	(tm) =	ssettm $0x7FFFFFFF  }
0x41: {  	_ =	shalt  }
tec
execute0_lowered:
.L_overlay_start_1:
0x0: {  	(tag) =	ssettag $0x1  }
0x1: {  	s0 =	stileid.u32;
	s1 =	srdreg.scid  }
0x2: {  	s5 =	rddreg [dreg:$0x0];
	s2 =	sshll.u32 s0, $0x5;
	s1 =	sshll.u32 s1, $0x9  }
0x3: {  	s3 =	rddreg [dreg:$0x1];
	s6 =	simm.s32 $0x1;
	s1 =	sor.u32 s2, s1  }
0x4: {  	s8 =	simm.s32 $0x2;
	s15 =	simm.s32 $0x0;
	s2 =	sand.u32 $0x380, s1  }
0x5: {  	s9 =	simm.s32 $0x2000;
	s14 =	simm.s32 $0x0;
	s4 =	ssub.s32 $0x400, s2  }
0x6: {  	s16 =	simm.s32 $0x0;
	s10 =	simm.s32 $0x0;
	s31 =	sand.u32 $0x380, s4  }
0x7: {  	s13 =	simm.s32 $0x0;
	s7 =	sand.u32 $0x3, s0;
	p0 =	sne.s32 s31, $0x0  }
.Ltmp0:
0x8: {  	s4 =	sshrl.u32 s4, $0xA;
	s6 =	simm.s32 @!p0 $0x0;
	(pc) =	sbr.rel .LBB1_1-.Ltmp0, $4  }
0x9: {  	s1 =	rddreg [dreg:$0x2];
	_ =	strace $0x8000004D;
	s6 =	sadd.s32 s6, s4  }
0xa: {  	s4 =	sadd.s32 $0x7E00, s5;
	s5 =	simm.s32 $0x1;
	s6 =	smul.u32 $0x32, s6  }
0xb: {  	s12 =	smov.u32 s7;
	s11 =	smov.u32 s2;
	[sflag:s5] =	ssyncpa.u1 $0x0  }
0xc: {  	p0 =	por $0x0, $0x0;
	[sflag:s8] =	ssyncpa.u1 $0x0;
	s8 =	sor.u32 $0x1, s6  }
.LBB1_4:
0xd: {  	s16 =	smul.u32 $0x64000, s16;
	_ =	sdelay $0x1  }
0xe: {  	s19 =	sand.u32 $0x1F80, s14;
	s15 =	sshll.u32 s15, $0xD;
	s16 =	sadd.s32 s3, s16  }
0xf: {  	[tilespmem:s18+$0x810 ss:$0x81] =	vst.msk $0xffff, v2;
	s20 =	sshrl.u32 s14, $0x3;
	s30 =	sand.u32 $0x7, s14;
	s16 =	sadd.s32 s19, s16  }
0x10: {  	[tilespmem:s18+$0x1020 ss:$0x81] =	vst.msk $0xffff, v0;
	s31 =	sand.u32 $0xF, s20;
	s14 =	sshll.u32 s30, $0x12;
	s15 =	sadd.s32 s15, s16  }
0x11: {  	[tilespmem:s18+$0x0 ss:$0x81] =	vst.msk $0xffff, v1;
	s14 =	sor.u32 $0x400, s14;
	s15 =	sadd.s32 s31, s15  }
0x12: {  	[hbm4b:s15+s14] =	stream.strided.scatter [tilespmem:s17], [sflag:$0x2], $0x2000, s9, s14, $0x20;
	[tilespmem:$0x8080] =	vst v63  }
.LBB1_5:
0x13: {  	s17 =	sadd.s32 $0x1, s10  }
0x14: {  	s14 =	sadd.s32 $0x400, s11;
	s18 =	smov.u32 s11;
	p2 =	sgt.s32 s17, $0x31  }
0x15: {  	s18 =	smov.u32 @p2 s14  }
0x16: {  	s20 =	smov.u32 s12;
	s14 =	sadd.s32 $0x4, s12;
	p3 =	sgt.s32 s18, $0x3FF  }
0x17: {  	s20 =	smov.u32 @p3 s14  }
0x18: {  	s17 =	simm.s32 @p2 $0x0;
	p2 =	sgt.s32 s20, $0x3  }
0x19: {  	p1 =	slt.u32 s13, $0x2;
	s20 =	smov.u32 @p2 s7;
	p2 =	sne.s32 s13, s8  }
.Ltmp1:
0x1a: {  	s19 =	simm.s32 @!p1 $0x2;
	(pc) =	sbr.rel @!p2 .LBB1_6-.Ltmp1, $4  }
0x1b: {  	s15 =	smov.u32 s10;
	s16 =	smov.u32 s12;
	_ =	swait.ge @!p1 [sflag:s19], $0x2000  }
0x1c: {  	p0 =	por !p0, !p0;
	[sflag:s19] =	ssyncset.done @!p1 $0x0;
	s10 =	smov.u32 s17  }
0x1d: {  	s18 =	smov.u32 @p3 s2;
	s14 =	smov.u32 s11;
	[sflag:s19] =	ssyncadd.s32 @!p1 $0xFFFFE000  }
0x1e: {  	s11 =	smov.u32 s18;
	s13 =	sadd.s32 $0x1, s13;
	s12 =	smov.u32 s20  }
.LBB1_1:
0x1f: {  	p1 =	sge.u32 s13, s6  }
0x20: {  	s17 =	sand.u32 @!p1 $0x1FFFFFF, s10;
	s19 =	smul.u32 @!p1 $0xE0000, s12  }
0x21: {  	s18 =	smulhi.u32 @!p1 $0x4924925, s17  }
0x22: {  	s21 =	smul.u32 @!p1 $0x380, s11  }
0x23: {  	s18 =	smul.u32 @!p1 $0x38, s18  }
0x24: {  	s31 =	sadd.s32 $0xFFFFFFFF, s13;
	s19 =	sadd.s32 @!p1 s4, s19  }
0x25: {  	s20 =	sxor.u32 @!p1 $0xFFFFFFFF, s13;
	s19 =	sadd.s32 @!p1 s21, s19;
	s17 =	ssub.s32 @!p1 s17, s18  }
0x26: {  	s18 =	sshll.u32 @!p1 s20, $0xD;
	s20 =	simm.s32 @!p1 $0x1C00;
	s17 =	sshll.u32 @!p1 s17, $0x4  }
0x27: {  	s18 =	sand.u32 @!p1 $0x2000, s18;
	s17 =	sadd.s32 @!p1 s17, s19;
	s19 =	simm.s32 @!p1 $0x40  }
0x28: {  	[tilespmem:s18], [sflag:$0x1] =	stream.strided.gather @!p1 [hbm4b:s17+s19], $0x2000, s20, s19, $0x38;
	[tilespmem:$0x8080] =	vst v63  }
0x29: {  	p1 =	sge.u32 s31, s6  }
.Ltmp2:
0x2a: {  	_ = 	snop;
	(pc) =	sbr.rel @p1 .LBB1_5-.Ltmp2, $1  }
0x2b: {  	_ =	sdelay $0x3  }
0x2c: {  	s17 =	simm.s32 $0x1  }
0x2d: {  	_ =	swait.ge [sflag:s5], $0x2000;
	s17 =	simm.s32 @!p0 $0x0  }
0x2e: {  	[sflag:s5] =	ssyncset.done $0x0;
	s18 =	sshll.u32 s17, $0xD  }
0x2f: {  	[sflag:s5] =	ssyncadd.s32 $0xFFFFE000;
	s21 =	sor.u32 $0x20, s18  }
0x30: {  	s17 =	smul.u32 $0x8100, s17;
	v3 =	vld [tilespmem:s21+$0x10]  }
0x31: {  	s30 =	sand.u32 $0x1, s13;
	v2 =	vld [tilespmem:s21+$0xFFFFFFF0]  }
0x32: {  	s18 =	smul.u32 $0x8100, s30;
	s17 =	sshrl.u32 s17, $0x2;
	v0 =	vld [tilespmem:s21+$0x0]  }
0x33: {  	v1 =	vld [tilespmem:s21+$0xFFFFFFE0];
	s19 =	sor.u32 $0x4000, s17  }
0x34: {  	s31 =	sshrl.u32 s18, $0x2;
	s18 =	sadd.s32 $0x0, s19  }
0x35: {  	s20 =	simm.s32 $0x4;
	s21 =	sadd.s32 $0x40, s21;
	s17 =	sor.u32 $0x4000, s31;
	[tilespmem:s18+$0x1830 ss:$0x81] =	vst.msk $0xffff, v3  }
.LBB1_3:
0x36: {  	v3 =	vld [tilespmem:s21+$0x10];
	p1 =	sne.s32 s20, $0x1FC;
	[tilespmem:s18+$0x810 ss:$0x81] =	vst.msk $0xffff, v2;
	s22 =	smov.u32 s20;
	s20 =	sadd.s32 $0x4, s20  }
.Ltmp3:
0x37: {  	v2 =	vld [tilespmem:s21+$0xFFFFFFF0];
	[tilespmem:s18+$0x1020 ss:$0x81] =	vst.msk $0xffff, v0;
	(pc) =	sbr.rel @p1 .LBB1_3-.Ltmp3, $4  }
0x38: {  	v0 =	vld [tilespmem:s21+$0x0];
	[tilespmem:s18+$0x0 ss:$0x81] =	vst.msk $0xffff, v1  }
0x39: {  	s18 =	sshra.s32 s22, $0x2;
	v1 =	vld [tilespmem:s21+$0xFFFFFFE0]  }
0x3a: {  	s18 =	sadd.s32 s18, s19  }
0x3b: {  	s21 =	sadd.s32 $0x40, s21;
	[tilespmem:s18+$0x1830 ss:$0x81] =	vst.msk $0xffff, v3  }
.Ltmp4:
0x3c: {  	_ = 	snop;
	(pc) =	sbr.rel .LBB1_4-.Ltmp4, $1  }
0x3d: {  	_ =	sdelay $0x3  }
.LBB1_6:
0x3e: {  	_ =	sfence.sel $0x180000  }
0x3f: {  	s2 =	simm.s32 $0x1;
	[bflag:$0x0] =	sbarrier.arrive $0xFFFF  }
0x40: {  	s31 =	simm.s32 $0x2;
	[sflag:s2] =	ssyncpa.u1 $0x1  }
0x41: {  	[sflag:s31] =	ssyncpa.u1 $0x1  }
0x42: {  	p0 =	sne.s32 s0, $0x0;
	_ =	strace $0x9000004D  }
0x43: {  	s0 =	sadd.s32 @!p0 $0x100000, s1;
	[bflag:$0x2] =	sbarrier.arrive $0xFFFF  }
0x44: {  	[sflag:s0] =	ssyncadd.tile.s32 @!p0 $0x1;
	_ =	shalt  }
.Lfunc_end1:
_tile_overlayer_lowered:
.L_overlay_start_2:
0x45: {  	(tag) =	ssettag $0x2  }
0x46: {  	s0 =	rddreg [dreg:$0x0];
	s2 =	stileid.u32  }
0x47: {  	s1 =	rddreg [dreg:$0x1];
	p0 =	sne.s32 s2, $0x0  }
0x48: {  	s3 =	rddreg [dreg:$0x2];
	[bflag:$0x3] =	sbarrier.arrive $0xFFFF;
	s2 =	simm.s32 @!p0 $0x1C01  }
0x49: {  	[timem:s3], [sflag:s2] =	dma.local @!p0 [hbm:s0], s1  }
0x4a: {  	s0 =	simm.s32 @!p0 $0x1  }
0x4b: {  	_ =	swait.ge @!p0 [sflag:s0], s1  }
0x4c: {  	s1 =	ssub.s32 @!p0 $0x0, s1;
	[sflag:s0] =	ssyncset.done @!p0 $0x0  }
0x4d: {  	[sflag:s0] =	ssyncadd.s32 @!p0 s1  }
0x4e: {  	[bflag:$0x3] =	sbarrier.arrive $0xFFFF  }
0x4f: {  	_ =	shalt  }

</sc_bundles>
